<compile_context>
chip_gen: v7x
topology: tpu7x:2x2x1
jax: 0.10.2.dev20260603
libtpu: 0.0.44.dev20260713+nightly
codegen_flags: <defaults>
</compile_context>

<pallas_src>
import jax
import jax.numpy as jnp
from jax import lax
from jax.experimental import pallas as pl
from jax.experimental.pallas import tpu as pltpu
from jax.experimental.pallas import tpu_sc as plsc

N = 10000
E = 320000
D = 128
NEG = 0.2
NPAD = 10240
TRASH = 10200
NC, NS, L = 2, 16, 16
EPT = E // (NC * NS)
CH = 80
NCHUNK = EPT // CH
ROWS_T = NPAD // NS
W1 = 16000

_SC_PARAMS = pltpu.CompilerParams(needs_layout_passes=False,
                                  use_tc_tiling_on_sc=False)


def _scmesh():
    return plsc.VectorSubcoreMesh(core_axis_name="c", subcore_axis_name="s",
                                  num_cores=NC, num_subcores=NS)


def _tc_prep_body(x_ref, w_ref, v_ref, er_ref, xw_ref, aj_ref, ai_ref,
                  cnt_ref):
    xw = lax.dot_general(x_ref[...], w_ref[...],
                         (((1,), (1,)), ((), ())),
                         preferred_element_type=jnp.float32)
    xw_ref[...] = xw
    sc = lax.dot_general(xw, v_ref[...],
                         (((1,), (0,)), ((), ())),
                         preferred_element_type=jnp.float32)
    aj_ref[...] = sc[:, 0:1]
    ai_ref[...] = sc[:, 1:2]
    valid = (er_ref[0] != er_ref[1]).astype(jnp.int32)
    cnt_ref[...] = jnp.sum(valid, axis=1, keepdims=True)


def _tc_prep(x, W, V, er):
    return pl.pallas_call(
        _tc_prep_body,
        out_shape=(
            jax.ShapeDtypeStruct((N, D), jnp.float32),
            jax.ShapeDtypeStruct((N, 1), jnp.float32),
            jax.ShapeDtypeStruct((N, 1), jnp.float32),
            jax.ShapeDtypeStruct((32, 1), jnp.int32),
        ),
    )(x, W, V, er)


def _sc_pre_body(src_hbm, dst_hbm, aj_hbm, ai_hbm, cnt_hbm,
                 bj_hbm, bi_hbm, es_hbm,
                 cnt_v, srcw, dstw, schk, dchk, aj_v, ai_v,
                 J1_v, I1_v, bj_v, bi_v, es_v):
    c = lax.axis_index("c")
    s = lax.axis_index("s")
    i16 = lax.iota(jnp.int32, L)

    @pl.when((c == 0) & (s == 0))
    def _only():
        pltpu.sync_copy(cnt_hbm, cnt_v)
        c0 = cnt_v[pl.ds(0, L)]
        c1 = cnt_v[pl.ds(L, L)]
        e_valid = jnp.sum(c0, axis=0) + jnp.sum(c1, axis=0)

        def initb(g, carry):
            v = g * L + i16 - e_valid
            J1_v[pl.ds(g * L, L)] = v
            I1_v[pl.ds(g * L, L)] = v
            return carry

        lax.fori_loop(0, NPAD // L, initb, 0)

        def scan_group(sv, dv, pos):
            m32 = (sv != dv).astype(jnp.int32)
            kvec = plsc.cumsum(m32) + (pos - 1)
            qual = (m32 > 0) & (kvec < N)
            plsc.store_scatter(J1_v, [kvec], sv, mask=qual)
            plsc.store_scatter(I1_v, [kvec], dv, mask=qual)
            return pos + jnp.sum(m32, axis=0)

        pltpu.sync_copy(src_hbm.at[pl.ds(0, W1)], srcw)
        pltpu.sync_copy(dst_hbm.at[pl.ds(0, W1)], dstw)

        def cond_a(carry):
            g, pos = carry
            return (pos < N) & (g < W1 // L)

        def body_a(carry):
            g, pos = carry
            sv = srcw[pl.ds(g * L, L)]
            dv = dstw[pl.ds(g * L, L)]
            return g + 1, scan_group(sv, dv, pos)

        _, pos = lax.while_loop(cond_a, body_a,
                                (jnp.int32(0), jnp.int32(0)))

        def cond_b(carry):
            ch, pos = carry
            return (pos < N) & (ch < E // CH)

        def body_b(carry):
            ch, pos = carry
            pltpu.sync_copy(src_hbm.at[pl.ds(ch * CH, CH)], schk)
            pltpu.sync_copy(dst_hbm.at[pl.ds(ch * CH, CH)], dchk)
            for g in range(CH // L):
                sv = schk[pl.ds(g * L, L)]
                dv = dchk[pl.ds(g * L, L)]
                pos = scan_group(sv, dv, pos)
            return ch + 1, pos

        lax.while_loop(cond_b, body_b, (jnp.int32(W1 // CH), pos))

        pltpu.sync_copy(aj_hbm, aj_v)
        pltpu.sync_copy(ai_hbm, ai_v)

        def gb(g, carry):
            j16 = jnp.clip(J1_v[pl.ds(g * L, L)], 0, N - 1)
            i16c = jnp.clip(I1_v[pl.ds(g * L, L)], 0, N - 1)
            bjv = plsc.load_gather(aj_v, [j16])
            biv = plsc.load_gather(ai_v, [i16c])
            z = bjv + biv
            bj_v[pl.ds(g * L, L)] = bjv
            bi_v[pl.ds(g * L, L)] = biv
            es_v[pl.ds(g * L, L)] = jnp.exp(jnp.maximum(z, NEG * z))
            return carry

        lax.fori_loop(0, NPAD // L, gb, 0)
        pltpu.sync_copy(bj_v, bj_hbm)
        pltpu.sync_copy(bi_v, bi_hbm)
        pltpu.sync_copy(es_v, es_hbm)


def _sc_pre(src, dst, aj, ai, counts):
    f32, i32 = jnp.float32, jnp.int32
    kern = pl.kernel(
        _sc_pre_body,
        out_type=(
            jax.ShapeDtypeStruct((NPAD,), f32),
            jax.ShapeDtypeStruct((NPAD,), f32),
            jax.ShapeDtypeStruct((NPAD,), f32),
        ),
        mesh=_scmesh(),
        compiler_params=_SC_PARAMS,
        scratch_types=[
            pltpu.VMEM((32,), i32),
            pltpu.VMEM((W1,), i32),
            pltpu.VMEM((W1,), i32),
            pltpu.VMEM((CH,), i32),
            pltpu.VMEM((CH,), i32),
            pltpu.VMEM((N,), f32),
            pltpu.VMEM((N,), f32),
            pltpu.VMEM((NPAD,), i32),
            pltpu.VMEM((NPAD,), i32),
            pltpu.VMEM((NPAD,), f32),
            pltpu.VMEM((NPAD,), f32),
            pltpu.VMEM((NPAD,), f32),
        ],
    )
    return kern(src, dst, aj, ai, counts)


def _sc_edge_body(src_hbm, dst_hbm, bj_hbm, bi_hbm, xw_hbm,
                  P_hbm, S_hbm,
                  bj_v, bi_v, rows_v, sbuf, dbuf, sidx_v, expa_v,
                  P_sh, S_sh, sem_s, sem_d, sem_g):
    c = lax.axis_index("c")
    s = lax.axis_index("s")
    i16 = lax.iota(jnp.int32, L)
    zero16 = jnp.zeros((L,), jnp.int32)
    z16 = jnp.zeros((L,), jnp.float32)
    wid = c * NS + s
    ebase = wid * EPT

    pltpu.async_copy(src_hbm.at[pl.ds(ebase, CH)], sbuf.at[0], sem_s)
    pltpu.async_copy(dst_hbm.at[pl.ds(ebase, CH)], dbuf.at[0], sem_d)

    pltpu.sync_copy(bj_hbm, bj_v)
    pltpu.sync_copy(bi_hbm, bi_v)

    def zex(r, carry):
        expa_v[r, pl.ds(0, L)] = z16
        return carry

    lax.fori_loop(0, CH, zex, 0)

    def zrows(r, carry):
        for d in range(D // L):
            rows_v[r, pl.ds(d * L, L)] = z16
        return carry

    lax.fori_loop(0, CH, zrows, 0)
    for p in range(ROWS_T // CH):
        pltpu.sync_copy(rows_v, P_sh.at[pl.ds(s * ROWS_T + p * CH, CH)])
        pltpu.sync_copy(expa_v, S_sh.at[pl.ds(s * ROWS_T + p * CH, CH)])
    plsc.subcore_barrier()

    def body(ch, carry):
        b = lax.rem(ch, 2)
        pltpu.make_async_copy(src_hbm.at[pl.ds(ebase + ch * CH, CH)],
                              sbuf.at[b], sem_s).wait()
        pltpu.make_async_copy(dst_hbm.at[pl.ds(ebase + ch * CH, CH)],
                              dbuf.at[b], sem_d).wait()

        @pl.when(ch + 1 < NCHUNK)
        def _prefetch():
            nb = lax.rem(ch + 1, 2)
            pltpu.async_copy(src_hbm.at[pl.ds(ebase + (ch + 1) * CH, CH)],
                             sbuf.at[nb], sem_s)
            pltpu.async_copy(dst_hbm.at[pl.ds(ebase + (ch + 1) * CH, CH)],
                             dbuf.at[nb], sem_d)

        cp = pltpu.async_copy(xw_hbm.at[sbuf.at[b]], rows_v, sem_g)

        for g in range(CH // L):
            sv = sbuf[b, pl.ds(g * L, L)]
            dv = dbuf[b, pl.ds(g * L, L)]
            bjv = plsc.load_gather(bj_v, [sv])
            biv = plsc.load_gather(bi_v, [dv])
            z = bjv + biv
            ex = jnp.exp(jnp.maximum(z, NEG * z))
            plsc.store_scatter(expa_v, [g * L + i16, zero16], ex)
            sidx_v[pl.ds(g * L, L)] = jnp.where(sv != dv, dv, TRASH)
        cp.wait()

        def scale(e, carry2):
            cf = plsc.load_gather(expa_v, [jnp.full((L,), e, jnp.int32),
                                           zero16])
            for d in range(D // L):
                rows_v[e, pl.ds(d * L, L)] = rows_v[e, pl.ds(d * L, L)] * cf
            return carry2

        lax.fori_loop(0, CH, scale, 0)
        pltpu.sync_copy(rows_v, P_sh.at[sidx_v], add=True)
        pltpu.sync_copy(expa_v, S_sh.at[sidx_v], add=True)
        return carry

    lax.fori_loop(0, NCHUNK, body, 0)
    plsc.subcore_barrier()
    pltpu.sync_copy(P_sh.at[pl.ds(s * ROWS_T, ROWS_T)],
                    P_hbm.at[c, pl.ds(s * ROWS_T, ROWS_T)])
    pltpu.sync_copy(S_sh.at[pl.ds(s * ROWS_T, ROWS_T)],
                    S_hbm.at[c, pl.ds(s * ROWS_T, ROWS_T)])


def _sc_edge(src, dst, bj, bi, xw):
    f32, i32 = jnp.float32, jnp.int32
    kern = pl.kernel(
        _sc_edge_body,
        out_type=(
            jax.ShapeDtypeStruct((NC, NPAD, D), f32),
            jax.ShapeDtypeStruct((NC, NPAD, L), f32),
        ),
        mesh=_scmesh(),
        compiler_params=_SC_PARAMS,
        scratch_types=[
            pltpu.VMEM((NPAD,), f32),
            pltpu.VMEM((NPAD,), f32),
            pltpu.VMEM((CH, D), f32),
            pltpu.VMEM((2, CH), i32),
            pltpu.VMEM((2, CH), i32),
            pltpu.VMEM((CH,), i32),
            pltpu.VMEM((CH, L), f32),
            pltpu.VMEM_SHARED((NPAD, D), f32),
            pltpu.VMEM_SHARED((NPAD, L), f32),
            pltpu.SemaphoreType.DMA,
            pltpu.SemaphoreType.DMA,
            pltpu.SemaphoreType.DMA,
        ],
    )
    return kern(src, dst, bj, bi, xw)


def _tc_comb_body(p_ref, s_ref, es_ref, xw_ref, b_ref, o_ref):
    esv = es_ref[...]
    num = p_ref[0] + p_ref[1] + esv * xw_ref[...]
    den = s_ref[0, :, 0:1] + s_ref[1, :, 0:1] + esv
    o_ref[...] = num / den + b_ref[...]


def _tc_comb(P, S, es, xw, bias):
    blk = 2000
    grid = N // blk
    return pl.pallas_call(
        _tc_comb_body,
        grid=(grid,),
        in_specs=[
            pl.BlockSpec((NC, blk, D), lambda i: (0, i, 0)),
            pl.BlockSpec((NC, blk, L), lambda i: (0, i, 0)),
            pl.BlockSpec((blk, 1), lambda i: (i, 0)),
            pl.BlockSpec((blk, D), lambda i: (i, 0)),
            pl.BlockSpec((1, D), lambda i: (0, 0)),
        ],
        out_specs=pl.BlockSpec((blk, D), lambda i: (i, 0)),
        out_shape=jax.ShapeDtypeStruct((N, D), jnp.float32),
    )(P, S, es, xw, bias)


def kernel(x, edge_index, W, attn_j, attn_i, bias):
    vj = attn_j.reshape(D)
    vi = attn_i.reshape(D)
    V = jnp.stack([vj, vi], axis=1)
    er = edge_index.reshape(2, 32, E // 32)
    src = edge_index[0]
    dst = edge_index[1]

    xw, aj2, ai2, cnt = _tc_prep(x, W, V, er)
    bj, bi, es = _sc_pre(src, dst, aj2.reshape(N), ai2.reshape(N),
                         cnt.reshape(32))
    P, S = _sc_edge(src, dst, bj, bi, xw)
    out = _tc_comb(P, S, es[:N].reshape(N, 1), xw, bias.reshape(1, D))
    return out

# --- scband reference (transcript-rebuilt; emitter-appended) ---
"""Pipeline reference for scband-gatconv-1082331758985 (READ-ONLY COPY).

The authoritative reference and input builder live on the scoring server;
editing this copy changes nothing except your own understanding.
"""

import jax, jax.numpy as jnp
import numpy as np

N_NODES = 10000
N_EDGES = 320000
D_IN = 128
HEADS = 1
D_OUT = 128
NEG_SLOPE = 0.2


def setup_inputs(seed: int = 0) -> dict:
    key = jax.random.key(seed)
    k1, k2, k3, k4, k5 = jax.random.split(key, 5)
    x = jax.random.normal(k1, (N_NODES, D_IN), dtype=jnp.float32)
    edge_index = jax.random.randint(k2, (2, N_EDGES), 0, N_NODES, dtype=jnp.int32)
    s_w = float(np.sqrt(6.0 / (D_IN * HEADS * D_OUT)))
    W = jax.random.uniform(k3, (HEADS * D_OUT, D_IN), minval=-s_w, maxval=s_w, dtype=jnp.float32)
    s_a = float(np.sqrt(6.0 / (HEADS * D_OUT)))
    attn_j = jax.random.uniform(k4, (1, HEADS, D_OUT), minval=-s_a, maxval=s_a, dtype=jnp.float32)
    attn_i = jax.random.uniform(k5, (1, HEADS, D_OUT), minval=-s_a, maxval=s_a, dtype=jnp.float32)
    bias = jnp.zeros((HEADS * D_OUT,), dtype=jnp.float32)
    return {"x": x, "edge_index": edge_index, "W": W, "attn_j": attn_j, "attn_i": attn_i, "bias": bias}


def reference(x, edge_index, W, attn_j, attn_i, bias):
    num_nodes = x.shape[0]
    n_edges = edge_index.shape[1]
    total = n_edges + num_nodes
    # remove self loops (fixed-shape: stable compaction, valid edges first in original order)
    mask = edge_index[0] != edge_index[1]
    perm = jnp.argsort(jnp.logical_not(mask))
    src_sorted = edge_index[0][perm]
    dst_sorted = edge_index[1][perm]
    e_valid = jnp.sum(mask.astype(jnp.int32))
    pos = jnp.arange(total, dtype=edge_index.dtype)
    pad = jnp.zeros((num_nodes,), dtype=edge_index.dtype)
    src_pad = jnp.concatenate([src_sorted, pad])
    dst_pad = jnp.concatenate([dst_sorted, pad])
    # add self loops at positions [e_valid, e_valid + num_nodes)
    loop_val = pos - e_valid
    in_valid = pos < e_valid
    in_loop = jnp.logical_and(pos >= e_valid, pos < e_valid + num_nodes)
    alive = jnp.logical_or(in_valid, in_loop)
    j_idx = jnp.where(in_valid, src_pad, jnp.where(in_loop, loop_val, 0))
    i_idx = jnp.where(in_valid, dst_pad, jnp.where(in_loop, loop_val, 0))
    i_seg = jnp.where(alive, i_idx, num_nodes)
    xw = (x @ W.T).reshape(-1, HEADS, D_OUT)
    x_j = xw[j_idx]
    x_i = xw[i_idx]
    # faithful to original (double indexing quirk preserved)
    alpha_j = (x_j * attn_j).sum(axis=-1)[j_idx]
    alpha_i = (x_i * attn_i).sum(axis=-1)[i_idx]
    alpha = alpha_j + alpha_i
    alpha = jax.nn.leaky_relu(alpha, negative_slope=NEG_SLOPE)
    # segment softmax over dst index; static segment count is a superset of original
    Nseg = total
    a_max = jax.ops.segment_max(alpha, i_seg, num_segments=Nseg)[i_seg]
    a_exp = jnp.exp(alpha - a_max)
    a_sum = jax.ops.segment_sum(a_exp, i_seg, num_segments=Nseg)[i_seg]
    alpha = a_exp / a_sum
    # dropout p=0.0 -> no-op
    message = jnp.where(alive[:, None, None], x_j * alpha[..., None], 0.0)
    out = jax.ops.segment_sum(message, i_seg, num_segments=num_nodes)
    out = out.reshape(-1, HEADS * D_OUT)
    out = out + bias
    return out

if __name__ == "__main__":
    import jax
    _d = setup_inputs()
    print(jax.jit(kernel)(*tuple(_d.values())))

</pallas_src>

<mosaic_0001>
#map = affine_map<(d0, d1) -> (0)>
module attributes {stable_mosaic.version = 14 : i64} {
  func.func @_sc_pre_body(%arg0: i32, %arg1: i32, %arg2: memref<320000xi32, #tpu.memory_space<hbm>>, %arg3: memref<320000xi32, #tpu.memory_space<hbm>>, %arg4: memref<10000xf32, #tpu.memory_space<hbm>>, %arg5: memref<10000xf32, #tpu.memory_space<hbm>>, %arg6: memref<32xi32, #tpu.memory_space<hbm>>, %arg7: memref<10240xf32, #tpu.memory_space<hbm>>, %arg8: memref<10240xf32, #tpu.memory_space<hbm>>, %arg9: memref<10240xf32, #tpu.memory_space<hbm>>, %arg10: memref<32xi32, #tpu.memory_space<vmem>>, %arg11: memref<16000xi32, #tpu.memory_space<vmem>>, %arg12: memref<16000xi32, #tpu.memory_space<vmem>>, %arg13: memref<80xi32, #tpu.memory_space<vmem>>, %arg14: memref<80xi32, #tpu.memory_space<vmem>>, %arg15: memref<10000xf32, #tpu.memory_space<vmem>>, %arg16: memref<10000xf32, #tpu.memory_space<vmem>>, %arg17: memref<10240xi32, #tpu.memory_space<vmem>>, %arg18: memref<10240xi32, #tpu.memory_space<vmem>>, %arg19: memref<10240xf32, #tpu.memory_space<vmem>>, %arg20: memref<10240xf32, #tpu.memory_space<vmem>>, %arg21: memref<10240xf32, #tpu.memory_space<vmem>>) attributes {dimension_semantics = [#tpu.dimension_semantics<core_parallel>, #tpu.dimension_semantics<subcore_parallel>], iteration_bounds = array<i64: 2, 16>, scalar_prefetch = 0 : i64, scratch_operands = 12 : i64, tpu.core_type = #tpu.core_type<sc_vector_subcore>, window_params = [{transform_indices = #map}, {transform_indices = #map}, {transform_indices = #map}, {transform_indices = #map}, {transform_indices = #map}, {transform_indices = #map}, {transform_indices = #map}, {transform_indices = #map}]} {
    %iota3A = tpu.iota {dimensions = array<i32: 0>} : vector<16xi32>
    %eq3A = arith.constant 0 : i32
    %eq3A_0 = arith.cmpi eq, %arg0, %eq3A : i32
    %eq3A_1 = arith.constant 0 : i32
    %eq3A_2 = arith.cmpi eq, %arg1, %eq3A_1 : i32
    %and3A = arith.andi %eq3A_0, %eq3A_2 : i1
    %convert_element_type3A = arith.extui %and3A : i1 to i32
    %cond3A = arith.constant 0 : i32
    %cond3A_3 = arith.cmpi ne, %convert_element_type3A, %cond3A : i32
    scf.if %cond3A_3 {
      "tpu.region"() ({
        %run_scoped3A = tpu.sem_alloc : memref<!tpu.dma_semaphore, #tpu.memory_space<semaphore_mem>>
        tpu.enqueue_dma source(%arg6 : memref<32xi32, #tpu.memory_space<hbm>>) target(%arg10 : memref<32xi32, #tpu.memory_space<vmem>>) target_semaphore(%run_scoped3A : memref<!tpu.dma_semaphore, #tpu.memory_space<semaphore_mem>>)
        tpu.wait_dma2 semaphore(%run_scoped3A : memref<!tpu.dma_semaphore, #tpu.memory_space<semaphore_mem>>) src(%arg6 : memref<32xi32, #tpu.memory_space<hbm>>) dst(%arg10 : memref<32xi32, #tpu.memory_space<vmem>>)
        tpu.yield
      }) : () -> ()
      %get3A = arith.constant 0 : index
      %get3A_4 = tpu.vector_load %arg10[%get3A] {strides = array<i32>} : memref<32xi32, #tpu.memory_space<vmem>>, vector<16xi32>,
      %get3A_5 = arith.constant 16 : index
      %get3A_6 = tpu.vector_load %arg10[%get3A_5] {strides = array<i32>} : memref<32xi32, #tpu.memory_space<vmem>>, vector<16xi32>,
      %reduce_sum3A = arith.constant true
      %reduce_sum3A_7 = vector.broadcast %reduce_sum3A : i1 to vector<16xi1>
      %reduce_sum3A_8 = tpu.scan <sum>, %get3A_4 masked %reduce_sum3A_7 : vector<16xi32>, vector<16xi1> -> vector<16xi32>
      %reduce_sum3A_9 = vector.extract %reduce_sum3A_8[15] : i32 from vector<16xi32>
      %reduce_sum3A_10 = arith.constant true
      %reduce_sum3A_11 = vector.broadcast %reduce_sum3A_10 : i1 to vector<16xi1>
      %reduce_sum3A_12 = tpu.scan <sum>, %get3A_6 masked %reduce_sum3A_11 : vector<16xi32>, vector<16xi1> -> vector<16xi32>
      %reduce_sum3A_13 = vector.extract %reduce_sum3A_12[15] : i32 from vector<16xi32>
      %add3A = arith.addi %reduce_sum3A_9, %reduce_sum3A_13 : i32
      %scan3A = arith.constant 0 : i32
      %scan3A_14 = arith.constant 0 : i32
      %scan3A_15 = arith.constant 640 : i32
      %scan3A_16 = arith.addi %scan3A_14, %scan3A_15 : i32
      %scan3A_17 = arith.constant 1 : i32
      scf.for %scan3A_29 = %scan3A_14 to %scan3A_16 step %scan3A_17  : i32 {
        %mul3A = arith.constant 16 : i32
        %mul3A_30 = arith.muli %scan3A_29, %mul3A : i32
        %add3A_31 = vector.broadcast %mul3A_30 : i32 to vector<16xi32>
        %add3A_32 = arith.addi %add3A_31, %iota3A : vector<16xi32>
        %sub3A = vector.broadcast %add3A : i32 to vector<16xi32>
        %sub3A_33 = arith.subi %add3A_32, %sub3A : vector<16xi32>
        %mul3A_34 = arith.constant 16 : i32
        %mul3A_35 = arith.muli %scan3A_29, %mul3A_34 : i32
        %swap3A = arith.index_cast %mul3A_35 : i32 to index
        %swap3A_36 = tpu.vector_load %arg17[%swap3A] {strides = array<i32>} : memref<10240xi32, #tpu.memory_space<vmem>>, vector<16xi32>,
        tpu.vector_store %arg17[%swap3A], %sub3A_33 {strides = array<i32>} : memref<10240xi32, #tpu.memory_space<vmem>>, vector<16xi32>,
        %mul3A_37 = arith.constant 16 : i32
        %mul3A_38 = arith.muli %scan3A_29, %mul3A_37 : i32
        %swap3A_39 = arith.index_cast %mul3A_38 : i32 to index
        %swap3A_40 = tpu.vector_load %arg18[%swap3A_39] {strides = array<i32>} : memref<10240xi32, #tpu.memory_space<vmem>>, vector<16xi32>,
        tpu.vector_store %arg18[%swap3A_39], %sub3A_33 {strides = array<i32>} : memref<10240xi32, #tpu.memory_space<vmem>>, vector<16xi32>,
      }
      %scan3A_18 = arith.constant 640 : i32
      "tpu.region"() ({
        %run_scoped3A = tpu.sem_alloc : memref<!tpu.dma_semaphore, #tpu.memory_space<semaphore_mem>>
        %dma_start3A = arith.constant 0 : i32
        %dma_start3A_29 = tpu.memref_slice %arg2[%dma_start3A] : memref<320000xi32, #tpu.memory_space<hbm>> -> memref<16000xi32, #tpu.memory_space<hbm>>
        %dma_start3A_30 = arith.constant 0 : i32
        %dma_start3A_31 = tpu.memref_slice %arg2[%dma_start3A_30] : memref<320000xi32, #tpu.memory_space<hbm>> -> memref<16000xi32, #tpu.memory_space<hbm>>
        tpu.enqueue_dma source(%dma_start3A_31 : memref<16000xi32, #tpu.memory_space<hbm>>) target(%arg11 : memref<16000xi32, #tpu.memory_space<vmem>>) target_semaphore(%run_scoped3A : memref<!tpu.dma_semaphore, #tpu.memory_space<semaphore_mem>>)
        %dma_wait3A = arith.constant 0 : i32
        %dma_wait3A_32 = tpu.memref_slice %arg2[%dma_wait3A] : memref<320000xi32, #tpu.memory_space<hbm>> -> memref<16000xi32, #tpu.memory_space<hbm>>
        %dma_wait3A_33 = arith.constant 0 : i32
        %dma_wait3A_34 = tpu.memref_slice %arg2[%dma_wait3A_33] : memref<320000xi32, #tpu.memory_space<hbm>> -> memref<16000xi32, #tpu.memory_space<hbm>>
        tpu.wait_dma2 semaphore(%run_scoped3A : memref<!tpu.dma_semaphore, #tpu.memory_space<semaphore_mem>>) src(%dma_wait3A_34 : memref<16000xi32, #tpu.memory_space<hbm>>) dst(%arg11 : memref<16000xi32, #tpu.memory_space<vmem>>)
        tpu.yield
      }) : () -> ()
      "tpu.region"() ({
        %run_scoped3A = tpu.sem_alloc : memref<!tpu.dma_semaphore, #tpu.memory_space<semaphore_mem>>
        %dma_start3A = arith.constant 0 : i32
        %dma_start3A_29 = tpu.memref_slice %arg3[%dma_start3A] : memref<320000xi32, #tpu.memory_space<hbm>> -> memref<16000xi32, #tpu.memory_space<hbm>>
        %dma_start3A_30 = arith.constant 0 : i32
        %dma_start3A_31 = tpu.memref_slice %arg3[%dma_start3A_30] : memref<320000xi32, #tpu.memory_space<hbm>> -> memref<16000xi32, #tpu.memory_space<hbm>>
        tpu.enqueue_dma source(%dma_start3A_31 : memref<16000xi32, #tpu.memory_space<hbm>>) target(%arg12 : memref<16000xi32, #tpu.memory_space<vmem>>) target_semaphore(%run_scoped3A : memref<!tpu.dma_semaphore, #tpu.memory_space<semaphore_mem>>)
        %dma_wait3A = arith.constant 0 : i32
        %dma_wait3A_32 = tpu.memref_slice %arg3[%dma_wait3A] : memref<320000xi32, #tpu.memory_space<hbm>> -> memref<16000xi32, #tpu.memory_space<hbm>>
        %dma_wait3A_33 = arith.constant 0 : i32
        %dma_wait3A_34 = tpu.memref_slice %arg3[%dma_wait3A_33] : memref<320000xi32, #tpu.memory_space<hbm>> -> memref<16000xi32, #tpu.memory_space<hbm>>
        tpu.wait_dma2 semaphore(%run_scoped3A : memref<!tpu.dma_semaphore, #tpu.memory_space<semaphore_mem>>) src(%dma_wait3A_34 : memref<16000xi32, #tpu.memory_space<hbm>>) dst(%arg12 : memref<16000xi32, #tpu.memory_space<vmem>>)
        tpu.yield
      }) : () -> ()
      %while3A = arith.constant 0 : i32
      %while3A_19 = arith.constant 0 : i32
      %while3A_20:2 = scf.while (%while3A_29 = %while3A, %while3A_30 = %while3A_19) : (i32, i32) -> (i32, i32) {
        %lt3A = arith.constant 10000 : i32
        %lt3A_31 = arith.cmpi slt, %while3A_30, %lt3A : i32
        %lt3A_32 = arith.constant 1000 : i32
        %lt3A_33 = arith.cmpi slt, %while3A_29, %lt3A_32 : i32
        %and3A_34 = arith.andi %lt3A_31, %lt3A_33 : i1
        scf.condition(%and3A_34) %while3A_29, %while3A_30 : i32, i32
      } do {
      ^bb0(%while3A_29: i32, %while3A_30: i32):
        %mul3A = arith.constant 16 : i32
        %mul3A_31 = arith.muli %while3A_29, %mul3A : i32
        %get3A_32 = arith.index_cast %mul3A_31 : i32 to index
        %get3A_33 = tpu.vector_load %arg11[%get3A_32] {strides = array<i32>} : memref<16000xi32, #tpu.memory_space<vmem>>, vector<16xi32>,
        %mul3A_34 = arith.constant 16 : i32
        %mul3A_35 = arith.muli %while3A_29, %mul3A_34 : i32
        %get3A_36 = arith.index_cast %mul3A_35 : i32 to index
        %get3A_37 = tpu.vector_load %arg12[%get3A_36] {strides = array<i32>} : memref<16000xi32, #tpu.memory_space<vmem>>, vector<16xi32>,
        %add3A_38 = arith.constant 1 : i32
        %add3A_39 = arith.addi %while3A_29, %add3A_38 : i32
        %ne3A = arith.cmpi ne, %get3A_33, %get3A_37 : vector<16xi32>
        %convert_element_type3A_40 = arith.extui %ne3A : vector<16xi1> to vector<16xi32>
        %broadcast_in_dim3A = arith.constant true
        %broadcast_in_dim3A_41 = vector.broadcast %broadcast_in_dim3A : i1 to vector<16xi1>
        %masked_cumsum3A = tpu.scan <sum>, %convert_element_type3A_40 masked %broadcast_in_dim3A_41 : vector<16xi32>, vector<16xi1> -> vector<16xi32>
        %sub3A = arith.constant 1 : i32
        %sub3A_42 = arith.subi %while3A_30, %sub3A : i32
        %add3A_43 = vector.broadcast %sub3A_42 : i32 to vector<16xi32>
        %add3A_44 = arith.addi %masked_cumsum3A, %add3A_43 : vector<16xi32>
        %gt3A = arith.constant 0 : i32
        %gt3A_45 = vector.broadcast %gt3A : i32 to vector<16xi32>
        %gt3A_46 = arith.cmpi sgt, %convert_element_type3A_40, %gt3A_45 : vector<16xi32>
        %lt3A = arith.constant 10000 : i32
        %lt3A_47 = vector.broadcast %lt3A : i32 to vector<16xi32>
        %lt3A_48 = arith.cmpi slt, %add3A_44, %lt3A_47 : vector<16xi32>
        %and3A_49 = arith.andi %gt3A_46, %lt3A_48 : vector<16xi1>
        tpu.vector_store_idx %arg17[%add3A_44], %get3A_33 masked %and3A_49 : memref<10240xi32, #tpu.memory_space<vmem>>[vector<16xi32>], vector<16xi32>, vector<16xi1>
        tpu.vector_store_idx %arg18[%add3A_44], %get3A_37 masked %and3A_49 : memref<10240xi32, #tpu.memory_space<vmem>>[vector<16xi32>], vector<16xi32>, vector<16xi1>
        %reduce_sum3A_50 = arith.constant true
        %reduce_sum3A_51 = vector.broadcast %reduce_sum3A_50 : i1 to vector<16xi1>
        %reduce_sum3A_52 = tpu.scan <sum>, %convert_element_type3A_40 masked %reduce_sum3A_51 : vector<16xi32>, vector<16xi1> -> vector<16xi32>
        %reduce_sum3A_53 = vector.extract %reduce_sum3A_52[15] : i32 from vector<16xi32>
        %add3A_54 = arith.addi %while3A_30, %reduce_sum3A_53 : i32
        scf.yield %add3A_39, %add3A_54 : i32, i32
      }
      %while3A_21 = arith.constant 200 : i32
      %while3A_22:2 = scf.while (%while3A_29 = %while3A_21, %while3A_30 = %while3A_20#1) : (i32, i32) -> (i32, i32) {
        %lt3A = arith.constant 10000 : i32
        %lt3A_31 = arith.cmpi slt, %while3A_30, %lt3A : i32
        %lt3A_32 = arith.constant 4000 : i32
        %lt3A_33 = arith.cmpi slt, %while3A_29, %lt3A_32 : i32
        %and3A_34 = arith.andi %lt3A_31, %lt3A_33 : i1
        scf.condition(%and3A_34) %while3A_29, %while3A_30 : i32, i32
      } do {
      ^bb0(%while3A_29: i32, %while3A_30: i32):
        %mul3A = arith.constant 80 : i32
        %mul3A_31 = arith.muli %while3A_29, %mul3A : i32
        "tpu.region"() ({
          %run_scoped3A = tpu.sem_alloc : memref<!tpu.dma_semaphore, #tpu.memory_space<semaphore_mem>>
          %dma_start3A = tpu.memref_slice %arg2[%mul3A_31] : memref<320000xi32, #tpu.memory_space<hbm>> -> memref<80xi32, #tpu.memory_space<hbm>>
          %dma_start3A_155 = tpu.memref_slice %arg2[%mul3A_31] : memref<320000xi32, #tpu.memory_space<hbm>> -> memref<80xi32, #tpu.memory_space<hbm>>
          tpu.enqueue_dma source(%dma_start3A_155 : memref<80xi32, #tpu.memory_space<hbm>>) target(%arg13 : memref<80xi32, #tpu.memory_space<vmem>>) target_semaphore(%run_scoped3A : memref<!tpu.dma_semaphore, #tpu.memory_space<semaphore_mem>>)
          %dma_wait3A = tpu.memref_slice %arg2[%mul3A_31] : memref<320000xi32, #tpu.memory_space<hbm>> -> memref<80xi32, #tpu.memory_space<hbm>>
          %dma_wait3A_156 = tpu.memref_slice %arg2[%mul3A_31] : memref<320000xi32, #tpu.memory_space<hbm>> -> memref<80xi32, #tpu.memory_space<hbm>>
          tpu.wait_dma2 semaphore(%run_scoped3A : memref<!tpu.dma_semaphore, #tpu.memory_space<semaphore_mem>>) src(%dma_wait3A_156 : memref<80xi32, #tpu.memory_space<hbm>>) dst(%arg13 : memref<80xi32, #tpu.memory_space<vmem>>)
          tpu.yield
        }) : () -> ()
        %mul3A_32 = arith.constant 80 : i32
        %mul3A_33 = arith.muli %while3A_29, %mul3A_32 : i32
        "tpu.region"() ({
          %run_scoped3A = tpu.sem_alloc : memref<!tpu.dma_semaphore, #tpu.memory_space<semaphore_mem>>
          %dma_start3A = tpu.memref_slice %arg3[%mul3A_33] : memref<320000xi32, #tpu.memory_space<hbm>> -> memref<80xi32, #tpu.memory_space<hbm>>
          %dma_start3A_155 = tpu.memref_slice %arg3[%mul3A_33] : memref<320000xi32, #tpu.memory_space<hbm>> -> memref<80xi32, #tpu.memory_space<hbm>>
          tpu.enqueue_dma source(%dma_start3A_155 : memref<80xi32, #tpu.memory_space<hbm>>) target(%arg14 : memref<80xi32, #tpu.memory_space<vmem>>) target_semaphore(%run_scoped3A : memref<!tpu.dma_semaphore, #tpu.memory_space<semaphore_mem>>)
          %dma_wait3A = tpu.memref_slice %arg3[%mul3A_33] : memref<320000xi32, #tpu.memory_space<hbm>> -> memref<80xi32, #tpu.memory_space<hbm>>
          %dma_wait3A_156 = tpu.memref_slice %arg3[%mul3A_33] : memref<320000xi32, #tpu.memory_space<hbm>> -> memref<80xi32, #tpu.memory_space<hbm>>
          tpu.wait_dma2 semaphore(%run_scoped3A : memref<!tpu.dma_semaphore, #tpu.memory_space<semaphore_mem>>) src(%dma_wait3A_156 : memref<80xi32, #tpu.memory_space<hbm>>) dst(%arg14 : memref<80xi32, #tpu.memory_space<vmem>>)
          tpu.yield
        }) : () -> ()
        %get3A_34 = arith.constant 0 : index
        %get3A_35 = tpu.vector_load %arg13[%get3A_34] {strides = array<i32>} : memref<80xi32, #tpu.memory_space<vmem>>, vector<16xi32>,
        %get3A_36 = arith.constant 0 : index
        %get3A_37 = tpu.vector_load %arg14[%get3A_36] {strides = array<i32>} : memref<80xi32, #tpu.memory_space<vmem>>, vector<16xi32>,
        %ne3A = arith.cmpi ne, %get3A_35, %get3A_37 : vector<16xi32>
        %convert_element_type3A_38 = arith.extui %ne3A : vector<16xi1> to vector<16xi32>
        %broadcast_in_dim3A = arith.constant true
        %broadcast_in_dim3A_39 = vector.broadcast %broadcast_in_dim3A : i1 to vector<16xi1>
        %masked_cumsum3A = tpu.scan <sum>, %convert_element_type3A_38 masked %broadcast_in_dim3A_39 : vector<16xi32>, vector<16xi1> -> vector<16xi32>
        %sub3A = arith.constant 1 : i32
        %sub3A_40 = arith.subi %while3A_30, %sub3A : i32
        %add3A_41 = vector.broadcast %sub3A_40 : i32 to vector<16xi32>
        %add3A_42 = arith.addi %masked_cumsum3A, %add3A_41 : vector<16xi32>
        %gt3A = arith.constant 0 : i32
        %gt3A_43 = vector.broadcast %gt3A : i32 to vector<16xi32>
        %gt3A_44 = arith.cmpi sgt, %convert_element_type3A_38, %gt3A_43 : vector<16xi32>
        %lt3A = arith.constant 10000 : i32
        %lt3A_45 = vector.broadcast %lt3A : i32 to vector<16xi32>
        %lt3A_46 = arith.cmpi slt, %add3A_42, %lt3A_45 : vector<16xi32>
        %and3A_47 = arith.andi %gt3A_44, %lt3A_46 : vector<16xi1>
        tpu.vector_store_idx %arg17[%add3A_42], %get3A_35 masked %and3A_47 : memref<10240xi32, #tpu.memory_space<vmem>>[vector<16xi32>], vector<16xi32>, vector<16xi1>
        tpu.vector_store_idx %arg18[%add3A_42], %get3A_37 masked %and3A_47 : memref<10240xi32, #tpu.memory_space<vmem>>[vector<16xi32>], vector<16xi32>, vector<16xi1>
        %reduce_sum3A_48 = arith.constant true
        %reduce_sum3A_49 = vector.broadcast %reduce_sum3A_48 : i1 to vector<16xi1>
        %reduce_sum3A_50 = tpu.scan <sum>, %convert_element_type3A_38 masked %reduce_sum3A_49 : vector<16xi32>, vector<16xi1> -> vector<16xi32>
        %reduce_sum3A_51 = vector.extract %reduce_sum3A_50[15] : i32 from vector<16xi32>
        %add3A_52 = arith.addi %while3A_30, %reduce_sum3A_51 : i32
        %get3A_53 = arith.constant 16 : index
        %get3A_54 = tpu.vector_load %arg13[%get3A_53] {strides = array<i32>} : memref<80xi32, #tpu.memory_space<vmem>>, vector<16xi32>,
        %get3A_55 = arith.constant 16 : index
        %get3A_56 = tpu.vector_load %arg14[%get3A_55] {strides = array<i32>} : memref<80xi32, #tpu.memory_space<vmem>>, vector<16xi32>,
        %ne3A_57 = arith.cmpi ne, %get3A_54, %get3A_56 : vector<16xi32>
        %convert_element_type3A_58 = arith.extui %ne3A_57 : vector<16xi1> to vector<16xi32>
        %broadcast_in_dim3A_59 = arith.constant true
        %broadcast_in_dim3A_60 = vector.broadcast %broadcast_in_dim3A_59 : i1 to vector<16xi1>
        %masked_cumsum3A_61 = tpu.scan <sum>, %convert_element_type3A_58 masked %broadcast_in_dim3A_60 : vector<16xi32>, vector<16xi1> -> vector<16xi32>
        %sub3A_62 = arith.constant 1 : i32
        %sub3A_63 = arith.subi %add3A_52, %sub3A_62 : i32
        %add3A_64 = vector.broadcast %sub3A_63 : i32 to vector<16xi32>
        %add3A_65 = arith.addi %masked_cumsum3A_61, %add3A_64 : vector<16xi32>
        %gt3A_66 = arith.constant 0 : i32
        %gt3A_67 = vector.broadcast %gt3A_66 : i32 to vector<16xi32>
        %gt3A_68 = arith.cmpi sgt, %convert_element_type3A_58, %gt3A_67 : vector<16xi32>
        %lt3A_69 = arith.constant 10000 : i32
        %lt3A_70 = vector.broadcast %lt3A_69 : i32 to vector<16xi32>
        %lt3A_71 = arith.cmpi slt, %add3A_65, %lt3A_70 : vector<16xi32>
        %and3A_72 = arith.andi %gt3A_68, %lt3A_71 : vector<16xi1>
        tpu.vector_store_idx %arg17[%add3A_65], %get3A_54 masked %and3A_72 : memref<10240xi32, #tpu.memory_space<vmem>>[vector<16xi32>], vector<16xi32>, vector<16xi1>
        tpu.vector_store_idx %arg18[%add3A_65], %get3A_56 masked %and3A_72 : memref<10240xi32, #tpu.memory_space<vmem>>[vector<16xi32>], vector<16xi32>, vector<16xi1>
        %reduce_sum3A_73 = arith.constant true
        %reduce_sum3A_74 = vector.broadcast %reduce_sum3A_73 : i1 to vector<16xi1>
        %reduce_sum3A_75 = tpu.scan <sum>, %convert_element_type3A_58 masked %reduce_sum3A_74 : vector<16xi32>, vector<16xi1> -> vector<16xi32>
        %reduce_sum3A_76 = vector.extract %reduce_sum3A_75[15] : i32 from vector<16xi32>
        %add3A_77 = arith.addi %add3A_52, %reduce_sum3A_76 : i32
        %get3A_78 = arith.constant 32 : index
        %get3A_79 = tpu.vector_load %arg13[%get3A_78] {strides = array<i32>} : memref<80xi32, #tpu.memory_space<vmem>>, vector<16xi32>,
        %get3A_80 = arith.constant 32 : index
        %get3A_81 = tpu.vector_load %arg14[%get3A_80] {strides = array<i32>} : memref<80xi32, #tpu.memory_space<vmem>>, vector<16xi32>,
        %ne3A_82 = arith.cmpi ne, %get3A_79, %get3A_81 : vector<16xi32>
        %convert_element_type3A_83 = arith.extui %ne3A_82 : vector<16xi1> to vector<16xi32>
        %broadcast_in_dim3A_84 = arith.constant true
        %broadcast_in_dim3A_85 = vector.broadcast %broadcast_in_dim3A_84 : i1 to vector<16xi1>
        %masked_cumsum3A_86 = tpu.scan <sum>, %convert_element_type3A_83 masked %broadcast_in_dim3A_85 : vector<16xi32>, vector<16xi1> -> vector<16xi32>
        %sub3A_87 = arith.constant 1 : i32
        %sub3A_88 = arith.subi %add3A_77, %sub3A_87 : i32
        %add3A_89 = vector.broadcast %sub3A_88 : i32 to vector<16xi32>
        %add3A_90 = arith.addi %masked_cumsum3A_86, %add3A_89 : vector<16xi32>
        %gt3A_91 = arith.constant 0 : i32
        %gt3A_92 = vector.broadcast %gt3A_91 : i32 to vector<16xi32>
        %gt3A_93 = arith.cmpi sgt, %convert_element_type3A_83, %gt3A_92 : vector<16xi32>
        %lt3A_94 = arith.constant 10000 : i32
        %lt3A_95 = vector.broadcast %lt3A_94 : i32 to vector<16xi32>
        %lt3A_96 = arith.cmpi slt, %add3A_90, %lt3A_95 : vector<16xi32>
        %and3A_97 = arith.andi %gt3A_93, %lt3A_96 : vector<16xi1>
        tpu.vector_store_idx %arg17[%add3A_90], %get3A_79 masked %and3A_97 : memref<10240xi32, #tpu.memory_space<vmem>>[vector<16xi32>], vector<16xi32>, vector<16xi1>
        tpu.vector_store_idx %arg18[%add3A_90], %get3A_81 masked %and3A_97 : memref<10240xi32, #tpu.memory_space<vmem>>[vector<16xi32>], vector<16xi32>, vector<16xi1>
        %reduce_sum3A_98 = arith.constant true
        %reduce_sum3A_99 = vector.broadcast %reduce_sum3A_98 : i1 to vector<16xi1>
        %reduce_sum3A_100 = tpu.scan <sum>, %convert_element_type3A_83 masked %reduce_sum3A_99 : vector<16xi32>, vector<16xi1> -> vector<16xi32>
        %reduce_sum3A_101 = vector.extract %reduce_sum3A_100[15] : i32 from vector<16xi32>
        %add3A_102 = arith.addi %add3A_77, %reduce_sum3A_101 : i32
        %get3A_103 = arith.constant 48 : index
        %get3A_104 = tpu.vector_load %arg13[%get3A_103] {strides = array<i32>} : memref<80xi32, #tpu.memory_space<vmem>>, vector<16xi32>,
        %get3A_105 = arith.constant 48 : index
        %get3A_106 = tpu.vector_load %arg14[%get3A_105] {strides = array<i32>} : memref<80xi32, #tpu.memory_space<vmem>>, vector<16xi32>,
        %ne3A_107 = arith.cmpi ne, %get3A_104, %get3A_106 : vector<16xi32>
        %convert_element_type3A_108 = arith.extui %ne3A_107 : vector<16xi1> to vector<16xi32>
        %broadcast_in_dim3A_109 = arith.constant true
        %broadcast_in_dim3A_110 = vector.broadcast %broadcast_in_dim3A_109 : i1 to vector<16xi1>
        %masked_cumsum3A_111 = tpu.scan <sum>, %convert_element_type3A_108 masked %broadcast_in_dim3A_110 : vector<16xi32>, vector<16xi1> -> vector<16xi32>
        %sub3A_112 = arith.constant 1 : i32
        %sub3A_113 = arith.subi %add3A_102, %sub3A_112 : i32
        %add3A_114 = vector.broadcast %sub3A_113 : i32 to vector<16xi32>
        %add3A_115 = arith.addi %masked_cumsum3A_111, %add3A_114 : vector<16xi32>
        %gt3A_116 = arith.constant 0 : i32
        %gt3A_117 = vector.broadcast %gt3A_116 : i32 to vector<16xi32>
        %gt3A_118 = arith.cmpi sgt, %convert_element_type3A_108, %gt3A_117 : vector<16xi32>
        %lt3A_119 = arith.constant 10000 : i32
        %lt3A_120 = vector.broadcast %lt3A_119 : i32 to vector<16xi32>
        %lt3A_121 = arith.cmpi slt, %add3A_115, %lt3A_120 : vector<16xi32>
        %and3A_122 = arith.andi %gt3A_118, %lt3A_121 : vector<16xi1>
        tpu.vector_store_idx %arg17[%add3A_115], %get3A_104 masked %and3A_122 : memref<10240xi32, #tpu.memory_space<vmem>>[vector<16xi32>], vector<16xi32>, vector<16xi1>
        tpu.vector_store_idx %arg18[%add3A_115], %get3A_106 masked %and3A_122 : memref<10240xi32, #tpu.memory_space<vmem>>[vector<16xi32>], vector<16xi32>, vector<16xi1>
        %reduce_sum3A_123 = arith.constant true
        %reduce_sum3A_124 = vector.broadcast %reduce_sum3A_123 : i1 to vector<16xi1>
        %reduce_sum3A_125 = tpu.scan <sum>, %convert_element_type3A_108 masked %reduce_sum3A_124 : vector<16xi32>, vector<16xi1> -> vector<16xi32>
        %reduce_sum3A_126 = vector.extract %reduce_sum3A_125[15] : i32 from vector<16xi32>
        %add3A_127 = arith.addi %add3A_102, %reduce_sum3A_126 : i32
        %get3A_128 = arith.constant 64 : index
        %get3A_129 = tpu.vector_load %arg13[%get3A_128] {strides = array<i32>} : memref<80xi32, #tpu.memory_space<vmem>>, vector<16xi32>,
        %get3A_130 = arith.constant 64 : index
        %get3A_131 = tpu.vector_load %arg14[%get3A_130] {strides = array<i32>} : memref<80xi32, #tpu.memory_space<vmem>>, vector<16xi32>,
        %ne3A_132 = arith.cmpi ne, %get3A_129, %get3A_131 : vector<16xi32>
        %convert_element_type3A_133 = arith.extui %ne3A_132 : vector<16xi1> to vector<16xi32>
        %broadcast_in_dim3A_134 = arith.constant true
        %broadcast_in_dim3A_135 = vector.broadcast %broadcast_in_dim3A_134 : i1 to vector<16xi1>
        %masked_cumsum3A_136 = tpu.scan <sum>, %convert_element_type3A_133 masked %broadcast_in_dim3A_135 : vector<16xi32>, vector<16xi1> -> vector<16xi32>
        %sub3A_137 = arith.constant 1 : i32
        %sub3A_138 = arith.subi %add3A_127, %sub3A_137 : i32
        %add3A_139 = vector.broadcast %sub3A_138 : i32 to vector<16xi32>
        %add3A_140 = arith.addi %masked_cumsum3A_136, %add3A_139 : vector<16xi32>
        %gt3A_141 = arith.constant 0 : i32
        %gt3A_142 = vector.broadcast %gt3A_141 : i32 to vector<16xi32>
        %gt3A_143 = arith.cmpi sgt, %convert_element_type3A_133, %gt3A_142 : vector<16xi32>
        %lt3A_144 = arith.constant 10000 : i32
        %lt3A_145 = vector.broadcast %lt3A_144 : i32 to vector<16xi32>
        %lt3A_146 = arith.cmpi slt, %add3A_140, %lt3A_145 : vector<16xi32>
        %and3A_147 = arith.andi %gt3A_143, %lt3A_146 : vector<16xi1>
        tpu.vector_store_idx %arg17[%add3A_140], %get3A_129 masked %and3A_147 : memref<10240xi32, #tpu.memory_space<vmem>>[vector<16xi32>], vector<16xi32>, vector<16xi1>
        tpu.vector_store_idx %arg18[%add3A_140], %get3A_131 masked %and3A_147 : memref<10240xi32, #tpu.memory_space<vmem>>[vector<16xi32>], vector<16xi32>, vector<16xi1>
        %reduce_sum3A_148 = arith.constant true
        %reduce_sum3A_149 = vector.broadcast %reduce_sum3A_148 : i1 to vector<16xi1>
        %reduce_sum3A_150 = tpu.scan <sum>, %convert_element_type3A_133 masked %reduce_sum3A_149 : vector<16xi32>, vector<16xi1> -> vector<16xi32>
        %reduce_sum3A_151 = vector.extract %reduce_sum3A_150[15] : i32 from vector<16xi32>
        %add3A_152 = arith.addi %add3A_127, %reduce_sum3A_151 : i32
        %add3A_153 = arith.constant 1 : i32
        %add3A_154 = arith.addi %while3A_29, %add3A_153 : i32
        scf.yield %add3A_154, %add3A_152 : i32, i32
      }
      "tpu.region"() ({
        %run_scoped3A = tpu.sem_alloc : memref<!tpu.dma_semaphore, #tpu.memory_space<semaphore_mem>>
        tpu.enqueue_dma source(%arg4 : memref<10000xf32, #tpu.memory_space<hbm>>) target(%arg15 : memref<10000xf32, #tpu.memory_space<vmem>>) target_semaphore(%run_scoped3A : memref<!tpu.dma_semaphore, #tpu.memory_space<semaphore_mem>>)
        tpu.wait_dma2 semaphore(%run_scoped3A : memref<!tpu.dma_semaphore, #tpu.memory_space<semaphore_mem>>) src(%arg4 : memref<10000xf32, #tpu.memory_space<hbm>>) dst(%arg15 : memref<10000xf32, #tpu.memory_space<vmem>>)
        tpu.yield
      }) : () -> ()
      "tpu.region"() ({
        %run_scoped3A = tpu.sem_alloc : memref<!tpu.dma_semaphore, #tpu.memory_space<semaphore_mem>>
        tpu.enqueue_dma source(%arg5 : memref<10000xf32, #tpu.memory_space<hbm>>) target(%arg16 : memref<10000xf32, #tpu.memory_space<vmem>>) target_semaphore(%run_scoped3A : memref<!tpu.dma_semaphore, #tpu.memory_space<semaphore_mem>>)
        tpu.wait_dma2 semaphore(%run_scoped3A : memref<!tpu.dma_semaphore, #tpu.memory_space<semaphore_mem>>) src(%arg5 : memref<10000xf32, #tpu.memory_space<hbm>>) dst(%arg16 : memref<10000xf32, #tpu.memory_space<vmem>>)
        tpu.yield
      }) : () -> ()
      %scan3A_23 = arith.constant 0 : i32
      %scan3A_24 = arith.constant 0 : i32
      %scan3A_25 = arith.constant 640 : i32
      %scan3A_26 = arith.addi %scan3A_24, %scan3A_25 : i32
      %scan3A_27 = arith.constant 1 : i32
      scf.for %scan3A_29 = %scan3A_24 to %scan3A_26 step %scan3A_27  : i32 {
        %mul3A = arith.constant 16 : i32
        %mul3A_30 = arith.muli %scan3A_29, %mul3A : i32
        %get3A_31 = arith.index_cast %mul3A_30 : i32 to index
        %get3A_32 = tpu.vector_load %arg17[%get3A_31] {strides = array<i32>} : memref<10240xi32, #tpu.memory_space<vmem>>, vector<16xi32>,
        %jit3A = arith.constant 0 : i32
        %jit3A_33 = arith.constant 9999 : i32
        %max3A = vector.broadcast %jit3A : i32 to vector<16xi32>
        %max3A_34 = arith.maxsi %max3A, %get3A_32 : vector<16xi32>
        %min3A = vector.broadcast %jit3A_33 : i32 to vector<16xi32>
        %min3A_35 = arith.minsi %min3A, %max3A_34 : vector<16xi32>
        %mul3A_36 = arith.constant 16 : i32
        %mul3A_37 = arith.muli %scan3A_29, %mul3A_36 : i32
        %get3A_38 = arith.index_cast %mul3A_37 : i32 to index
        %get3A_39 = tpu.vector_load %arg18[%get3A_38] {strides = array<i32>} : memref<10240xi32, #tpu.memory_space<vmem>>, vector<16xi32>,
        %jit3A_40 = arith.constant 0 : i32
        %jit3A_41 = arith.constant 9999 : i32
        %max3A_42 = vector.broadcast %jit3A_40 : i32 to vector<16xi32>
        %max3A_43 = arith.maxsi %max3A_42, %get3A_39 : vector<16xi32>
        %min3A_44 = vector.broadcast %jit3A_41 : i32 to vector<16xi32>
        %min3A_45 = arith.minsi %min3A_44, %max3A_43 : vector<16xi32>
        %gather3A = tpu.vector_load_idx %arg15[%min3A_35] : memref<10000xf32, #tpu.memory_space<vmem>>[vector<16xi32>], vector<16xf32>,
        %gather3A_46 = tpu.vector_load_idx %arg16[%min3A_45] : memref<10000xf32, #tpu.memory_space<vmem>>[vector<16xi32>], vector<16xf32>,
        %add3A_47 = arith.addf %gather3A, %gather3A_46 : vector<16xf32>
        %mul3A_48 = arith.constant 16 : i32
        %mul3A_49 = arith.muli %scan3A_29, %mul3A_48 : i32
        %swap3A = arith.index_cast %mul3A_49 : i32 to index
        %swap3A_50 = tpu.vector_load %arg19[%swap3A] {strides = array<i32>} : memref<10240xf32, #tpu.memory_space<vmem>>, vector<16xf32>,
        tpu.vector_store %arg19[%swap3A], %gather3A {strides = array<i32>} : memref<10240xf32, #tpu.memory_space<vmem>>, vector<16xf32>,
        %mul3A_51 = arith.constant 16 : i32
        %mul3A_52 = arith.muli %scan3A_29, %mul3A_51 : i32
        %swap3A_53 = arith.index_cast %mul3A_52 : i32 to index
        %swap3A_54 = tpu.vector_load %arg20[%swap3A_53] {strides = array<i32>} : memref<10240xf32, #tpu.memory_space<vmem>>, vector<16xf32>,
        tpu.vector_store %arg20[%swap3A_53], %gather3A_46 {strides = array<i32>} : memref<10240xf32, #tpu.memory_space<vmem>>, vector<16xf32>,
        %mul3A_55 = arith.constant 2.000000e-01 : f32
        %mul3A_56 = vector.broadcast %mul3A_55 : f32 to vector<16xf32>
        %mul3A_57 = arith.mulf %mul3A_56, %add3A_47 : vector<16xf32>
        %max3A_58 = arith.maximumf %add3A_47, %mul3A_57 : vector<16xf32>
        %exp3A = math.exp %max3A_58 : vector<16xf32>
        %mul3A_59 = arith.constant 16 : i32
        %mul3A_60 = arith.muli %scan3A_29, %mul3A_59 : i32
        %swap3A_61 = arith.index_cast %mul3A_60 : i32 to index
        %swap3A_62 = tpu.vector_load %arg21[%swap3A_61] {strides = array<i32>} : memref<10240xf32, #tpu.memory_space<vmem>>, vector<16xf32>,
        tpu.vector_store %arg21[%swap3A_61], %exp3A {strides = array<i32>} : memref<10240xf32, #tpu.memory_space<vmem>>, vector<16xf32>,
      }
      %scan3A_28 = arith.constant 640 : i32
      "tpu.region"() ({
        %run_scoped3A = tpu.sem_alloc : memref<!tpu.dma_semaphore, #tpu.memory_space<semaphore_mem>>
        tpu.enqueue_dma source(%arg19 : memref<10240xf32, #tpu.memory_space<vmem>>) target(%arg7 : memref<10240xf32, #tpu.memory_space<hbm>>) target_semaphore(%run_scoped3A : memref<!tpu.dma_semaphore, #tpu.memory_space<semaphore_mem>>)
        tpu.wait_dma2 semaphore(%run_scoped3A : memref<!tpu.dma_semaphore, #tpu.memory_space<semaphore_mem>>) src(%arg19 : memref<10240xf32, #tpu.memory_space<vmem>>) dst(%arg7 : memref<10240xf32, #tpu.memory_space<hbm>>)
        tpu.yield
      }) : () -> ()
      "tpu.region"() ({
        %run_scoped3A = tpu.sem_alloc : memref<!tpu.dma_semaphore, #tpu.memory_space<semaphore_mem>>
        tpu.enqueue_dma source(%arg20 : memref<10240xf32, #tpu.memory_space<vmem>>) target(%arg8 : memref<10240xf32, #tpu.memory_space<hbm>>) target_semaphore(%run_scoped3A : memref<!tpu.dma_semaphore, #tpu.memory_space<semaphore_mem>>)
        tpu.wait_dma2 semaphore(%run_scoped3A : memref<!tpu.dma_semaphore, #tpu.memory_space<semaphore_mem>>) src(%arg20 : memref<10240xf32, #tpu.memory_space<vmem>>) dst(%arg8 : memref<10240xf32, #tpu.memory_space<hbm>>)
        tpu.yield
      }) : () -> ()
      "tpu.region"() ({
        %run_scoped3A = tpu.sem_alloc : memref<!tpu.dma_semaphore, #tpu.memory_space<semaphore_mem>>
        tpu.enqueue_dma source(%arg21 : memref<10240xf32, #tpu.memory_space<vmem>>) target(%arg9 : memref<10240xf32, #tpu.memory_space<hbm>>) target_semaphore(%run_scoped3A : memref<!tpu.dma_semaphore, #tpu.memory_space<semaphore_mem>>)
        tpu.wait_dma2 semaphore(%run_scoped3A : memref<!tpu.dma_semaphore, #tpu.memory_space<semaphore_mem>>) src(%arg21 : memref<10240xf32, #tpu.memory_space<vmem>>) dst(%arg9 : memref<10240xf32, #tpu.memory_space<hbm>>)
        tpu.yield
      }) : () -> ()
    } else {
    }
    return
  }
}

#map = affine_map<(d0, d1) -> (0)>
#map1 = affine_map<(d0, d1) -> (0, 0)>
#map2 = affine_map<(d0, d1) -> (0, 0, 0)>
module attributes {stable_mosaic.version = 14 : i64} {
  func.func @_sc_edge_body(%arg0: i32, %arg1: i32, %arg2: memref<320000xi32, #tpu.memory_space<hbm>>, %arg3: memref<320000xi32, #tpu.memory_space<hbm>>, %arg4: memref<10240xf32, #tpu.memory_space<hbm>>, %arg5: memref<10240xf32, #tpu.memory_space<hbm>>, %arg6: memref<10000x128xf32, #tpu.memory_space<hbm>>, %arg7: memref<2x10240x128xf32, #tpu.memory_space<hbm>>, %arg8: memref<2x10240x16xf32, #tpu.memory_space<hbm>>, %arg9: memref<10240xf32, #tpu.memory_space<vmem>>, %arg10: memref<10240xf32, #tpu.memory_space<vmem>>, %arg11: memref<80x128xf32, #tpu.memory_space<vmem>>, %arg12: memref<2x80xi32, #tpu.memory_space<vmem>>, %arg13: memref<2x80xi32, #tpu.memory_space<vmem>>, %arg14: memref<80xi32, #tpu.memory_space<vmem>>, %arg15: memref<80x16xf32, #tpu.memory_space<vmem>>, %arg16: memref<10240x128xf32, #tpu.memory_space<vmem_shared>>, %arg17: memref<10240x16xf32, #tpu.memory_space<vmem_shared>>, %arg18: memref<!tpu.dma_semaphore, #tpu.memory_space<semaphore_mem>>, %arg19: memref<!tpu.dma_semaphore, #tpu.memory_space<semaphore_mem>>, %arg20: memref<!tpu.dma_semaphore, #tpu.memory_space<semaphore_mem>>) attributes {dimension_semantics = [#tpu.dimension_semantics<core_parallel>, #tpu.dimension_semantics<subcore_parallel>], iteration_bounds = array<i64: 2, 16>, scalar_prefetch = 0 : i64, scratch_operands = 12 : i64, tpu.core_type = #tpu.core_type<sc_vector_subcore>, window_params = [{transform_indices = #map}, {transform_indices = #map}, {transform_indices = #map}, {transform_indices = #map}, {transform_indices = #map1}, {transform_indices = #map2}, {transform_indices = #map2}]} {
    %iota3A = tpu.iota {dimensions = array<i32: 0>} : vector<16xi32>
    %broadcast_in_dim3A = arith.constant 0 : i32
    %broadcast_in_dim3A_0 = vector.broadcast %broadcast_in_dim3A : i32 to vector<16xi32>
    %broadcast_in_dim3A_1 = arith.constant 0.000000e+00 : f32
    %broadcast_in_dim3A_2 = vector.broadcast %broadcast_in_dim3A_1 : f32 to vector<16xf32>
    %mul3A = arith.constant 16 : i32
    %mul3A_3 = arith.muli %arg0, %mul3A : i32
    %add3A = arith.addi %mul3A_3, %arg1 : i32
    %mul3A_4 = arith.constant 10000 : i32
    %mul3A_5 = arith.muli %add3A, %mul3A_4 : i32
    %dma_start3A = arith.constant 0 : i32
    %dma_start3A_6 = arith.constant 0 : i32
    %dma_start3A_7 = tpu.memref_slice %arg12[%dma_start3A, %dma_start3A_6] : memref<2x80xi32, #tpu.memory_space<vmem>> -> memref<1x80xi32, #tpu.memory_space<vmem>>
    %dma_start3A_8 = tpu.memref_squeeze %dma_start3A_7 : memref<1x80xi32, #tpu.memory_space<vmem>> -> memref<80xi32, #tpu.memory_space<vmem>>
    %dma_start3A_9 = tpu.memref_slice %arg2[%mul3A_5] : memref<320000xi32, #tpu.memory_space<hbm>> -> memref<80xi32, #tpu.memory_space<hbm>>
    %dma_start3A_10 = arith.constant 0 : i32
    %dma_start3A_11 = tpu.memref_slice %arg12[%dma_start3A, %dma_start3A_10] : memref<2x80xi32, #tpu.memory_space<vmem>> -> memref<1x80xi32, #tpu.memory_space<vmem>>
    %dma_start3A_12 = tpu.memref_squeeze %dma_start3A_11 : memref<1x80xi32, #tpu.memory_space<vmem>> -> memref<80xi32, #tpu.memory_space<vmem>>
    %dma_start3A_13 = tpu.memref_slice %arg2[%mul3A_5] : memref<320000xi32, #tpu.memory_space<hbm>> -> memref<80xi32, #tpu.memory_space<hbm>>
    tpu.enqueue_dma source(%dma_start3A_13 : memref<80xi32, #tpu.memory_space<hbm>>) target(%dma_start3A_12 : memref<80xi32, #tpu.memory_space<vmem>>) target_semaphore(%arg18 : memref<!tpu.dma_semaphore, #tpu.memory_space<semaphore_mem>>)
    %dma_start3A_14 = arith.constant 0 : i32
    %dma_start3A_15 = arith.constant 0 : i32
    %dma_start3A_16 = tpu.memref_slice %arg13[%dma_start3A_14, %dma_start3A_15] : memref<2x80xi32, #tpu.memory_space<vmem>> -> memref<1x80xi32, #tpu.memory_space<vmem>>
    %dma_start3A_17 = tpu.memref_squeeze %dma_start3A_16 : memref<1x80xi32, #tpu.memory_space<vmem>> -> memref<80xi32, #tpu.memory_space<vmem>>
    %dma_start3A_18 = tpu.memref_slice %arg3[%mul3A_5] : memref<320000xi32, #tpu.memory_space<hbm>> -> memref<80xi32, #tpu.memory_space<hbm>>
    %dma_start3A_19 = arith.constant 0 : i32
    %dma_start3A_20 = tpu.memref_slice %arg13[%dma_start3A_14, %dma_start3A_19] : memref<2x80xi32, #tpu.memory_space<vmem>> -> memref<1x80xi32, #tpu.memory_space<vmem>>
    %dma_start3A_21 = tpu.memref_squeeze %dma_start3A_20 : memref<1x80xi32, #tpu.memory_space<vmem>> -> memref<80xi32, #tpu.memory_space<vmem>>
    %dma_start3A_22 = tpu.memref_slice %arg3[%mul3A_5] : memref<320000xi32, #tpu.memory_space<hbm>> -> memref<80xi32, #tpu.memory_space<hbm>>
    tpu.enqueue_dma source(%dma_start3A_22 : memref<80xi32, #tpu.memory_space<hbm>>) target(%dma_start3A_21 : memref<80xi32, #tpu.memory_space<vmem>>) target_semaphore(%arg19 : memref<!tpu.dma_semaphore, #tpu.memory_space<semaphore_mem>>)
    "tpu.region"() ({
      %run_scoped3A = tpu.sem_alloc : memref<!tpu.dma_semaphore, #tpu.memory_space<semaphore_mem>>
      tpu.enqueue_dma source(%arg4 : memref<10240xf32, #tpu.memory_space<hbm>>) target(%arg9 : memref<10240xf32, #tpu.memory_space<vmem>>) target_semaphore(%run_scoped3A : memref<!tpu.dma_semaphore, #tpu.memory_space<semaphore_mem>>)
      tpu.wait_dma2 semaphore(%run_scoped3A : memref<!tpu.dma_semaphore, #tpu.memory_space<semaphore_mem>>) src(%arg4 : memref<10240xf32, #tpu.memory_space<hbm>>) dst(%arg9 : memref<10240xf32, #tpu.memory_space<vmem>>)
      tpu.yield
    }) : () -> ()
    "tpu.region"() ({
      %run_scoped3A = tpu.sem_alloc : memref<!tpu.dma_semaphore, #tpu.memory_space<semaphore_mem>>
      tpu.enqueue_dma source(%arg5 : memref<10240xf32, #tpu.memory_space<hbm>>) target(%arg10 : memref<10240xf32, #tpu.memory_space<vmem>>) target_semaphore(%run_scoped3A : memref<!tpu.dma_semaphore, #tpu.memory_space<semaphore_mem>>)
      tpu.wait_dma2 semaphore(%run_scoped3A : memref<!tpu.dma_semaphore, #tpu.memory_space<semaphore_mem>>) src(%arg5 : memref<10240xf32, #tpu.memory_space<hbm>>) dst(%arg10 : memref<10240xf32, #tpu.memory_space<vmem>>)
      tpu.yield
    }) : () -> ()
    %scan3A = arith.constant 0 : i32
    %scan3A_23 = arith.constant 0 : i32
    %scan3A_24 = arith.constant 80 : i32
    %scan3A_25 = arith.addi %scan3A_23, %scan3A_24 : i32
    %scan3A_26 = arith.constant 1 : i32
    scf.for %scan3A_113 = %scan3A_23 to %scan3A_25 step %scan3A_26  : i32 {
      %swap3A = arith.index_cast %scan3A_113 : i32 to index
      %swap3A_114 = arith.constant 0 : index
      %swap3A_115 = tpu.vector_load %arg15[%swap3A, %swap3A_114] {strides = array<i32>} : memref<80x16xf32, #tpu.memory_space<vmem>>, vector<16xf32>,
      tpu.vector_store %arg15[%swap3A, %swap3A_114], %broadcast_in_dim3A_2 {strides = array<i32>} : memref<80x16xf32, #tpu.memory_space<vmem>>, vector<16xf32>,
    }
    %scan3A_27 = arith.constant 80 : i32
    %scan3A_28 = arith.constant 0 : i32
    %scan3A_29 = arith.constant 0 : i32
    %scan3A_30 = arith.constant 80 : i32
    %scan3A_31 = arith.addi %scan3A_29, %scan3A_30 : i32
    %scan3A_32 = arith.constant 1 : i32
    scf.for %scan3A_113 = %scan3A_29 to %scan3A_31 step %scan3A_32  : i32 {
      %swap3A = arith.index_cast %scan3A_113 : i32 to index
      %swap3A_114 = arith.constant 0 : index
      %swap3A_115 = tpu.vector_load %arg11[%swap3A, %swap3A_114] {strides = array<i32>} : memref<80x128xf32, #tpu.memory_space<vmem>>, vector<16xf32>,
      tpu.vector_store %arg11[%swap3A, %swap3A_114], %broadcast_in_dim3A_2 {strides = array<i32>} : memref<80x128xf32, #tpu.memory_space<vmem>>, vector<16xf32>,
      %swap3A_116 = arith.index_cast %scan3A_113 : i32 to index
      %swap3A_117 = arith.constant 16 : index
      %swap3A_118 = tpu.vector_load %arg11[%swap3A_116, %swap3A_117] {strides = array<i32>} : memref<80x128xf32, #tpu.memory_space<vmem>>, vector<16xf32>,
      tpu.vector_store %arg11[%swap3A_116, %swap3A_117], %broadcast_in_dim3A_2 {strides = array<i32>} : memref<80x128xf32, #tpu.memory_space<vmem>>, vector<16xf32>,
      %swap3A_119 = arith.index_cast %scan3A_113 : i32 to index
      %swap3A_120 = arith.constant 32 : index
      %swap3A_121 = tpu.vector_load %arg11[%swap3A_119, %swap3A_120] {strides = array<i32>} : memref<80x128xf32, #tpu.memory_space<vmem>>, vector<16xf32>,
      tpu.vector_store %arg11[%swap3A_119, %swap3A_120], %broadcast_in_dim3A_2 {strides = array<i32>} : memref<80x128xf32, #tpu.memory_space<vmem>>, vector<16xf32>,
      %swap3A_122 = arith.index_cast %scan3A_113 : i32 to index
      %swap3A_123 = arith.constant 48 : index
      %swap3A_124 = tpu.vector_load %arg11[%swap3A_122, %swap3A_123] {strides = array<i32>} : memref<80x128xf32, #tpu.memory_space<vmem>>, vector<16xf32>,
      tpu.vector_store %arg11[%swap3A_122, %swap3A_123], %broadcast_in_dim3A_2 {strides = array<i32>} : memref<80x128xf32, #tpu.memory_space<vmem>>, vector<16xf32>,
      %swap3A_125 = arith.index_cast %scan3A_113 : i32 to index
      %swap3A_126 = arith.constant 64 : index
      %swap3A_127 = tpu.vector_load %arg11[%swap3A_125, %swap3A_126] {strides = array<i32>} : memref<80x128xf32, #tpu.memory_space<vmem>>, vector<16xf32>,
      tpu.vector_store %arg11[%swap3A_125, %swap3A_126], %broadcast_in_dim3A_2 {strides = array<i32>} : memref<80x128xf32, #tpu.memory_space<vmem>>, vector<16xf32>,
      %swap3A_128 = arith.index_cast %scan3A_113 : i32 to index
      %swap3A_129 = arith.constant 80 : index
      %swap3A_130 = tpu.vector_load %arg11[%swap3A_128, %swap3A_129] {strides = array<i32>} : memref<80x128xf32, #tpu.memory_space<vmem>>, vector<16xf32>,
      tpu.vector_store %arg11[%swap3A_128, %swap3A_129], %broadcast_in_dim3A_2 {strides = array<i32>} : memref<80x128xf32, #tpu.memory_space<vmem>>, vector<16xf32>,
      %swap3A_131 = arith.index_cast %scan3A_113 : i32 to index
      %swap3A_132 = arith.constant 96 : index
      %swap3A_133 = tpu.vector_load %arg11[%swap3A_131, %swap3A_132] {strides = array<i32>} : memref<80x128xf32, #tpu.memory_space<vmem>>, vector<16xf32>,
      tpu.vector_store %arg11[%swap3A_131, %swap3A_132], %broadcast_in_dim3A_2 {strides = array<i32>} : memref<80x128xf32, #tpu.memory_space<vmem>>, vector<16xf32>,
      %swap3A_134 = arith.index_cast %scan3A_113 : i32 to index
      %swap3A_135 = arith.constant 112 : index
      %swap3A_136 = tpu.vector_load %arg11[%swap3A_134, %swap3A_135] {strides = array<i32>} : memref<80x128xf32, #tpu.memory_space<vmem>>, vector<16xf32>,
      tpu.vector_store %arg11[%swap3A_134, %swap3A_135], %broadcast_in_dim3A_2 {strides = array<i32>} : memref<80x128xf32, #tpu.memory_space<vmem>>, vector<16xf32>,
    }
    %scan3A_33 = arith.constant 80 : i32
    %mul3A_34 = arith.constant 640 : i32
    %mul3A_35 = arith.muli %arg1, %mul3A_34 : i32
    %add3A_36 = arith.constant 0 : i32
    %add3A_37 = arith.addi %mul3A_35, %add3A_36 : i32
    "tpu.region"() ({
      %run_scoped3A = tpu.sem_alloc : memref<!tpu.dma_semaphore, #tpu.memory_space<semaphore_mem>>
      %dma_start3A_113 = arith.constant 0 : i32
      %dma_start3A_114 = tpu.memref_slice %arg16[%add3A_37, %dma_start3A_113] : memref<10240x128xf32, #tpu.memory_space<vmem_shared>> -> memref<80x128xf32, #tpu.memory_space<vmem_shared>>
      %dma_start3A_115 = arith.constant 0 : i32
      %dma_start3A_116 = tpu.memref_slice %arg16[%add3A_37, %dma_start3A_115] : memref<10240x128xf32, #tpu.memory_space<vmem_shared>> -> memref<80x128xf32, #tpu.memory_space<vmem_shared>>
      tpu.enqueue_dma source(%arg11 : memref<80x128xf32, #tpu.memory_space<vmem>>) target(%dma_start3A_116 : memref<80x128xf32, #tpu.memory_space<vmem_shared>>) target_semaphore(%run_scoped3A : memref<!tpu.dma_semaphore, #tpu.memory_space<semaphore_mem>>)
      %dma_wait3A = arith.constant 0 : i32
      %dma_wait3A_117 = tpu.memref_slice %arg16[%add3A_37, %dma_wait3A] : memref<10240x128xf32, #tpu.memory_space<vmem_shared>> -> memref<80x128xf32, #tpu.memory_space<vmem_shared>>
      %dma_wait3A_118 = arith.constant 0 : i32
      %dma_wait3A_119 = tpu.memref_slice %arg16[%add3A_37, %dma_wait3A_118] : memref<10240x128xf32, #tpu.memory_space<vmem_shared>> -> memref<80x128xf32, #tpu.memory_space<vmem_shared>>
      tpu.wait_dma2 semaphore(%run_scoped3A : memref<!tpu.dma_semaphore, #tpu.memory_space<semaphore_mem>>) src(%arg11 : memref<80x128xf32, #tpu.memory_space<vmem>>) dst(%dma_wait3A_119 : memref<80x128xf32, #tpu.memory_space<vmem_shared>>)
      tpu.yield
    }) : () -> ()
    %mul3A_38 = arith.constant 640 : i32
    %mul3A_39 = arith.muli %arg1, %mul3A_38 : i32
    %add3A_40 = arith.constant 0 : i32
    %add3A_41 = arith.addi %mul3A_39, %add3A_40 : i32
    "tpu.region"() ({
      %run_scoped3A = tpu.sem_alloc : memref<!tpu.dma_semaphore, #tpu.memory_space<semaphore_mem>>
      %dma_start3A_113 = arith.constant 0 : i32
      %dma_start3A_114 = tpu.memref_slice %arg17[%add3A_41, %dma_start3A_113] : memref<10240x16xf32, #tpu.memory_space<vmem_shared>> -> memref<80x16xf32, #tpu.memory_space<vmem_shared>>
      %dma_start3A_115 = arith.constant 0 : i32
      %dma_start3A_116 = tpu.memref_slice %arg17[%add3A_41, %dma_start3A_115] : memref<10240x16xf32, #tpu.memory_space<vmem_shared>> -> memref<80x16xf32, #tpu.memory_space<vmem_shared>>
      tpu.enqueue_dma source(%arg15 : memref<80x16xf32, #tpu.memory_space<vmem>>) target(%dma_start3A_116 : memref<80x16xf32, #tpu.memory_space<vmem_shared>>) target_semaphore(%run_scoped3A : memref<!tpu.dma_semaphore, #tpu.memory_space<semaphore_mem>>)
      %dma_wait3A = arith.constant 0 : i32
      %dma_wait3A_117 = tpu.memref_slice %arg17[%add3A_41, %dma_wait3A] : memref<10240x16xf32, #tpu.memory_space<vmem_shared>> -> memref<80x16xf32, #tpu.memory_space<vmem_shared>>
      %dma_wait3A_118 = arith.constant 0 : i32
      %dma_wait3A_119 = tpu.memref_slice %arg17[%add3A_41, %dma_wait3A_118] : memref<10240x16xf32, #tpu.memory_space<vmem_shared>> -> memref<80x16xf32, #tpu.memory_space<vmem_shared>>
      tpu.wait_dma2 semaphore(%run_scoped3A : memref<!tpu.dma_semaphore, #tpu.memory_space<semaphore_mem>>) src(%arg15 : memref<80x16xf32, #tpu.memory_space<vmem>>) dst(%dma_wait3A_119 : memref<80x16xf32, #tpu.memory_space<vmem_shared>>)
      tpu.yield
    }) : () -> ()
    %mul3A_42 = arith.constant 640 : i32
    %mul3A_43 = arith.muli %arg1, %mul3A_42 : i32
    %add3A_44 = arith.constant 80 : i32
    %add3A_45 = arith.addi %mul3A_43, %add3A_44 : i32
    "tpu.region"() ({
      %run_scoped3A = tpu.sem_alloc : memref<!tpu.dma_semaphore, #tpu.memory_space<semaphore_mem>>
      %dma_start3A_113 = arith.constant 0 : i32
      %dma_start3A_114 = tpu.memref_slice %arg16[%add3A_45, %dma_start3A_113] : memref<10240x128xf32, #tpu.memory_space<vmem_shared>> -> memref<80x128xf32, #tpu.memory_space<vmem_shared>>
      %dma_start3A_115 = arith.constant 0 : i32
      %dma_start3A_116 = tpu.memref_slice %arg16[%add3A_45, %dma_start3A_115] : memref<10240x128xf32, #tpu.memory_space<vmem_shared>> -> memref<80x128xf32, #tpu.memory_space<vmem_shared>>
      tpu.enqueue_dma source(%arg11 : memref<80x128xf32, #tpu.memory_space<vmem>>) target(%dma_start3A_116 : memref<80x128xf32, #tpu.memory_space<vmem_shared>>) target_semaphore(%run_scoped3A : memref<!tpu.dma_semaphore, #tpu.memory_space<semaphore_mem>>)
      %dma_wait3A = arith.constant 0 : i32
      %dma_wait3A_117 = tpu.memref_slice %arg16[%add3A_45, %dma_wait3A] : memref<10240x128xf32, #tpu.memory_space<vmem_shared>> -> memref<80x128xf32, #tpu.memory_space<vmem_shared>>
      %dma_wait3A_118 = arith.constant 0 : i32
      %dma_wait3A_119 = tpu.memref_slice %arg16[%add3A_45, %dma_wait3A_118] : memref<10240x128xf32, #tpu.memory_space<vmem_shared>> -> memref<80x128xf32, #tpu.memory_space<vmem_shared>>
      tpu.wait_dma2 semaphore(%run_scoped3A : memref<!tpu.dma_semaphore, #tpu.memory_space<semaphore_mem>>) src(%arg11 : memref<80x128xf32, #tpu.memory_space<vmem>>) dst(%dma_wait3A_119 : memref<80x128xf32, #tpu.memory_space<vmem_shared>>)
      tpu.yield
    }) : () -> ()
    %mul3A_46 = arith.constant 640 : i32
    %mul3A_47 = arith.muli %arg1, %mul3A_46 : i32
    %add3A_48 = arith.constant 80 : i32
    %add3A_49 = arith.addi %mul3A_47, %add3A_48 : i32
    "tpu.region"() ({
      %run_scoped3A = tpu.sem_alloc : memref<!tpu.dma_semaphore, #tpu.memory_space<semaphore_mem>>
      %dma_start3A_113 = arith.constant 0 : i32
      %dma_start3A_114 = tpu.memref_slice %arg17[%add3A_49, %dma_start3A_113] : memref<10240x16xf32, #tpu.memory_space<vmem_shared>> -> memref<80x16xf32, #tpu.memory_space<vmem_shared>>
      %dma_start3A_115 = arith.constant 0 : i32
      %dma_start3A_116 = tpu.memref_slice %arg17[%add3A_49, %dma_start3A_115] : memref<10240x16xf32, #tpu.memory_space<vmem_shared>> -> memref<80x16xf32, #tpu.memory_space<vmem_shared>>
      tpu.enqueue_dma source(%arg15 : memref<80x16xf32, #tpu.memory_space<vmem>>) target(%dma_start3A_116 : memref<80x16xf32, #tpu.memory_space<vmem_shared>>) target_semaphore(%run_scoped3A : memref<!tpu.dma_semaphore, #tpu.memory_space<semaphore_mem>>)
      %dma_wait3A = arith.constant 0 : i32
      %dma_wait3A_117 = tpu.memref_slice %arg17[%add3A_49, %dma_wait3A] : memref<10240x16xf32, #tpu.memory_space<vmem_shared>> -> memref<80x16xf32, #tpu.memory_space<vmem_shared>>
      %dma_wait3A_118 = arith.constant 0 : i32
      %dma_wait3A_119 = tpu.memref_slice %arg17[%add3A_49, %dma_wait3A_118] : memref<10240x16xf32, #tpu.memory_space<vmem_shared>> -> memref<80x16xf32, #tpu.memory_space<vmem_shared>>
      tpu.wait_dma2 semaphore(%run_scoped3A : memref<!tpu.dma_semaphore, #tpu.memory_space<semaphore_mem>>) src(%arg15 : memref<80x16xf32, #tpu.memory_space<vmem>>) dst(%dma_wait3A_119 : memref<80x16xf32, #tpu.memory_space<vmem_shared>>)
      tpu.yield
    }) : () -> ()
    %mul3A_50 = arith.constant 640 : i32
    %mul3A_51 = arith.muli %arg1, %mul3A_50 : i32
    %add3A_52 = arith.constant 160 : i32
    %add3A_53 = arith.addi %mul3A_51, %add3A_52 : i32
    "tpu.region"() ({
      %run_scoped3A = tpu.sem_alloc : memref<!tpu.dma_semaphore, #tpu.memory_space<semaphore_mem>>
      %dma_start3A_113 = arith.constant 0 : i32
      %dma_start3A_114 = tpu.memref_slice %arg16[%add3A_53, %dma_start3A_113] : memref<10240x128xf32, #tpu.memory_space<vmem_shared>> -> memref<80x128xf32, #tpu.memory_space<vmem_shared>>
      %dma_start3A_115 = arith.constant 0 : i32
      %dma_start3A_116 = tpu.memref_slice %arg16[%add3A_53, %dma_start3A_115] : memref<10240x128xf32, #tpu.memory_space<vmem_shared>> -> memref<80x128xf32, #tpu.memory_space<vmem_shared>>
      tpu.enqueue_dma source(%arg11 : memref<80x128xf32, #tpu.memory_space<vmem>>) target(%dma_start3A_116 : memref<80x128xf32, #tpu.memory_space<vmem_shared>>) target_semaphore(%run_scoped3A : memref<!tpu.dma_semaphore, #tpu.memory_space<semaphore_mem>>)
      %dma_wait3A = arith.constant 0 : i32
      %dma_wait3A_117 = tpu.memref_slice %arg16[%add3A_53, %dma_wait3A] : memref<10240x128xf32, #tpu.memory_space<vmem_shared>> -> memref<80x128xf32, #tpu.memory_space<vmem_shared>>
      %dma_wait3A_118 = arith.constant 0 : i32
      %dma_wait3A_119 = tpu.memref_slice %arg16[%add3A_53, %dma_wait3A_118] : memref<10240x128xf32, #tpu.memory_space<vmem_shared>> -> memref<80x128xf32, #tpu.memory_space<vmem_shared>>
      tpu.wait_dma2 semaphore(%run_scoped3A : memref<!tpu.dma_semaphore, #tpu.memory_space<semaphore_mem>>) src(%arg11 : memref<80x128xf32, #tpu.memory_space<vmem>>) dst(%dma_wait3A_119 : memref<80x128xf32, #tpu.memory_space<vmem_shared>>)
      tpu.yield
    }) : () -> ()
    %mul3A_54 = arith.constant 640 : i32
    %mul3A_55 = arith.muli %arg1, %mul3A_54 : i32
    %add3A_56 = arith.constant 160 : i32
    %add3A_57 = arith.addi %mul3A_55, %add3A_56 : i32
    "tpu.region"() ({
      %run_scoped3A = tpu.sem_alloc : memref<!tpu.dma_semaphore, #tpu.memory_space<semaphore_mem>>
      %dma_start3A_113 = arith.constant 0 : i32
      %dma_start3A_114 = tpu.memref_slice %arg17[%add3A_57, %dma_start3A_113] : memref<10240x16xf32, #tpu.memory_space<vmem_shared>> -> memref<80x16xf32, #tpu.memory_space<vmem_shared>>
      %dma_start3A_115 = arith.constant 0 : i32
      %dma_start3A_116 = tpu.memref_slice %arg17[%add3A_57, %dma_start3A_115] : memref<10240x16xf32, #tpu.memory_space<vmem_shared>> -> memref<80x16xf32, #tpu.memory_space<vmem_shared>>
      tpu.enqueue_dma source(%arg15 : memref<80x16xf32, #tpu.memory_space<vmem>>) target(%dma_start3A_116 : memref<80x16xf32, #tpu.memory_space<vmem_shared>>) target_semaphore(%run_scoped3A : memref<!tpu.dma_semaphore, #tpu.memory_space<semaphore_mem>>)
      %dma_wait3A = arith.constant 0 : i32
      %dma_wait3A_117 = tpu.memref_slice %arg17[%add3A_57, %dma_wait3A] : memref<10240x16xf32, #tpu.memory_space<vmem_shared>> -> memref<80x16xf32, #tpu.memory_space<vmem_shared>>
      %dma_wait3A_118 = arith.constant 0 : i32
      %dma_wait3A_119 = tpu.memref_slice %arg17[%add3A_57, %dma_wait3A_118] : memref<10240x16xf32, #tpu.memory_space<vmem_shared>> -> memref<80x16xf32, #tpu.memory_space<vmem_shared>>
      tpu.wait_dma2 semaphore(%run_scoped3A : memref<!tpu.dma_semaphore, #tpu.memory_space<semaphore_mem>>) src(%arg15 : memref<80x16xf32, #tpu.memory_space<vmem>>) dst(%dma_wait3A_119 : memref<80x16xf32, #tpu.memory_space<vmem_shared>>)
      tpu.yield
    }) : () -> ()
    %mul3A_58 = arith.constant 640 : i32
    %mul3A_59 = arith.muli %arg1, %mul3A_58 : i32
    %add3A_60 = arith.constant 240 : i32
    %add3A_61 = arith.addi %mul3A_59, %add3A_60 : i32
    "tpu.region"() ({
      %run_scoped3A = tpu.sem_alloc : memref<!tpu.dma_semaphore, #tpu.memory_space<semaphore_mem>>
      %dma_start3A_113 = arith.constant 0 : i32
      %dma_start3A_114 = tpu.memref_slice %arg16[%add3A_61, %dma_start3A_113] : memref<10240x128xf32, #tpu.memory_space<vmem_shared>> -> memref<80x128xf32, #tpu.memory_space<vmem_shared>>
      %dma_start3A_115 = arith.constant 0 : i32
      %dma_start3A_116 = tpu.memref_slice %arg16[%add3A_61, %dma_start3A_115] : memref<10240x128xf32, #tpu.memory_space<vmem_shared>> -> memref<80x128xf32, #tpu.memory_space<vmem_shared>>
      tpu.enqueue_dma source(%arg11 : memref<80x128xf32, #tpu.memory_space<vmem>>) target(%dma_start3A_116 : memref<80x128xf32, #tpu.memory_space<vmem_shared>>) target_semaphore(%run_scoped3A : memref<!tpu.dma_semaphore, #tpu.memory_space<semaphore_mem>>)
      %dma_wait3A = arith.constant 0 : i32
      %dma_wait3A_117 = tpu.memref_slice %arg16[%add3A_61, %dma_wait3A] : memref<10240x128xf32, #tpu.memory_space<vmem_shared>> -> memref<80x128xf32, #tpu.memory_space<vmem_shared>>
      %dma_wait3A_118 = arith.constant 0 : i32
      %dma_wait3A_119 = tpu.memref_slice %arg16[%add3A_61, %dma_wait3A_118] : memref<10240x128xf32, #tpu.memory_space<vmem_shared>> -> memref<80x128xf32, #tpu.memory_space<vmem_shared>>
      tpu.wait_dma2 semaphore(%run_scoped3A : memref<!tpu.dma_semaphore, #tpu.memory_space<semaphore_mem>>) src(%arg11 : memref<80x128xf32, #tpu.memory_space<vmem>>) dst(%dma_wait3A_119 : memref<80x128xf32, #tpu.memory_space<vmem_shared>>)
      tpu.yield
    }) : () -> ()
    %mul3A_62 = arith.constant 640 : i32
    %mul3A_63 = arith.muli %arg1, %mul3A_62 : i32
    %add3A_64 = arith.constant 240 : i32
    %add3A_65 = arith.addi %mul3A_63, %add3A_64 : i32
    "tpu.region"() ({
      %run_scoped3A = tpu.sem_alloc : memref<!tpu.dma_semaphore, #tpu.memory_space<semaphore_mem>>
      %dma_start3A_113 = arith.constant 0 : i32
      %dma_start3A_114 = tpu.memref_slice %arg17[%add3A_65, %dma_start3A_113] : memref<10240x16xf32, #tpu.memory_space<vmem_shared>> -> memref<80x16xf32, #tpu.memory_space<vmem_shared>>
      %dma_start3A_115 = arith.constant 0 : i32
      %dma_start3A_116 = tpu.memref_slice %arg17[%add3A_65, %dma_start3A_115] : memref<10240x16xf32, #tpu.memory_space<vmem_shared>> -> memref<80x16xf32, #tpu.memory_space<vmem_shared>>
      tpu.enqueue_dma source(%arg15 : memref<80x16xf32, #tpu.memory_space<vmem>>) target(%dma_start3A_116 : memref<80x16xf32, #tpu.memory_space<vmem_shared>>) target_semaphore(%run_scoped3A : memref<!tpu.dma_semaphore, #tpu.memory_space<semaphore_mem>>)
      %dma_wait3A = arith.constant 0 : i32
      %dma_wait3A_117 = tpu.memref_slice %arg17[%add3A_65, %dma_wait3A] : memref<10240x16xf32, #tpu.memory_space<vmem_shared>> -> memref<80x16xf32, #tpu.memory_space<vmem_shared>>
      %dma_wait3A_118 = arith.constant 0 : i32
      %dma_wait3A_119 = tpu.memref_slice %arg17[%add3A_65, %dma_wait3A_118] : memref<10240x16xf32, #tpu.memory_space<vmem_shared>> -> memref<80x16xf32, #tpu.memory_space<vmem_shared>>
      tpu.wait_dma2 semaphore(%run_scoped3A : memref<!tpu.dma_semaphore, #tpu.memory_space<semaphore_mem>>) src(%arg15 : memref<80x16xf32, #tpu.memory_space<vmem>>) dst(%dma_wait3A_119 : memref<80x16xf32, #tpu.memory_space<vmem_shared>>)
      tpu.yield
    }) : () -> ()
    %mul3A_66 = arith.constant 640 : i32
    %mul3A_67 = arith.muli %arg1, %mul3A_66 : i32
    %add3A_68 = arith.constant 320 : i32
    %add3A_69 = arith.addi %mul3A_67, %add3A_68 : i32
    "tpu.region"() ({
      %run_scoped3A = tpu.sem_alloc : memref<!tpu.dma_semaphore, #tpu.memory_space<semaphore_mem>>
      %dma_start3A_113 = arith.constant 0 : i32
      %dma_start3A_114 = tpu.memref_slice %arg16[%add3A_69, %dma_start3A_113] : memref<10240x128xf32, #tpu.memory_space<vmem_shared>> -> memref<80x128xf32, #tpu.memory_space<vmem_shared>>
      %dma_start3A_115 = arith.constant 0 : i32
      %dma_start3A_116 = tpu.memref_slice %arg16[%add3A_69, %dma_start3A_115] : memref<10240x128xf32, #tpu.memory_space<vmem_shared>> -> memref<80x128xf32, #tpu.memory_space<vmem_shared>>
      tpu.enqueue_dma source(%arg11 : memref<80x128xf32, #tpu.memory_space<vmem>>) target(%dma_start3A_116 : memref<80x128xf32, #tpu.memory_space<vmem_shared>>) target_semaphore(%run_scoped3A : memref<!tpu.dma_semaphore, #tpu.memory_space<semaphore_mem>>)
      %dma_wait3A = arith.constant 0 : i32
      %dma_wait3A_117 = tpu.memref_slice %arg16[%add3A_69, %dma_wait3A] : memref<10240x128xf32, #tpu.memory_space<vmem_shared>> -> memref<80x128xf32, #tpu.memory_space<vmem_shared>>
      %dma_wait3A_118 = arith.constant 0 : i32
      %dma_wait3A_119 = tpu.memref_slice %arg16[%add3A_69, %dma_wait3A_118] : memref<10240x128xf32, #tpu.memory_space<vmem_shared>> -> memref<80x128xf32, #tpu.memory_space<vmem_shared>>
      tpu.wait_dma2 semaphore(%run_scoped3A : memref<!tpu.dma_semaphore, #tpu.memory_space<semaphore_mem>>) src(%arg11 : memref<80x128xf32, #tpu.memory_space<vmem>>) dst(%dma_wait3A_119 : memref<80x128xf32, #tpu.memory_space<vmem_shared>>)
      tpu.yield
    }) : () -> ()
    %mul3A_70 = arith.constant 640 : i32
    %mul3A_71 = arith.muli %arg1, %mul3A_70 : i32
    %add3A_72 = arith.constant 320 : i32
    %add3A_73 = arith.addi %mul3A_71, %add3A_72 : i32
    "tpu.region"() ({
      %run_scoped3A = tpu.sem_alloc : memref<!tpu.dma_semaphore, #tpu.memory_space<semaphore_mem>>
      %dma_start3A_113 = arith.constant 0 : i32
      %dma_start3A_114 = tpu.memref_slice %arg17[%add3A_73, %dma_start3A_113] : memref<10240x16xf32, #tpu.memory_space<vmem_shared>> -> memref<80x16xf32, #tpu.memory_space<vmem_shared>>
      %dma_start3A_115 = arith.constant 0 : i32
      %dma_start3A_116 = tpu.memref_slice %arg17[%add3A_73, %dma_start3A_115] : memref<10240x16xf32, #tpu.memory_space<vmem_shared>> -> memref<80x16xf32, #tpu.memory_space<vmem_shared>>
      tpu.enqueue_dma source(%arg15 : memref<80x16xf32, #tpu.memory_space<vmem>>) target(%dma_start3A_116 : memref<80x16xf32, #tpu.memory_space<vmem_shared>>) target_semaphore(%run_scoped3A : memref<!tpu.dma_semaphore, #tpu.memory_space<semaphore_mem>>)
      %dma_wait3A = arith.constant 0 : i32
      %dma_wait3A_117 = tpu.memref_slice %arg17[%add3A_73, %dma_wait3A] : memref<10240x16xf32, #tpu.memory_space<vmem_shared>> -> memref<80x16xf32, #tpu.memory_space<vmem_shared>>
      %dma_wait3A_118 = arith.constant 0 : i32
      %dma_wait3A_119 = tpu.memref_slice %arg17[%add3A_73, %dma_wait3A_118] : memref<10240x16xf32, #tpu.memory_space<vmem_shared>> -> memref<80x16xf32, #tpu.memory_space<vmem_shared>>
      tpu.wait_dma2 semaphore(%run_scoped3A : memref<!tpu.dma_semaphore, #tpu.memory_space<semaphore_mem>>) src(%arg15 : memref<80x16xf32, #tpu.memory_space<vmem>>) dst(%dma_wait3A_119 : memref<80x16xf32, #tpu.memory_space<vmem_shared>>)
      tpu.yield
    }) : () -> ()
    %mul3A_74 = arith.constant 640 : i32
    %mul3A_75 = arith.muli %arg1, %mul3A_74 : i32
    %add3A_76 = arith.constant 400 : i32
    %add3A_77 = arith.addi %mul3A_75, %add3A_76 : i32
    "tpu.region"() ({
      %run_scoped3A = tpu.sem_alloc : memref<!tpu.dma_semaphore, #tpu.memory_space<semaphore_mem>>
      %dma_start3A_113 = arith.constant 0 : i32
      %dma_start3A_114 = tpu.memref_slice %arg16[%add3A_77, %dma_start3A_113] : memref<10240x128xf32, #tpu.memory_space<vmem_shared>> -> memref<80x128xf32, #tpu.memory_space<vmem_shared>>
      %dma_start3A_115 = arith.constant 0 : i32
      %dma_start3A_116 = tpu.memref_slice %arg16[%add3A_77, %dma_start3A_115] : memref<10240x128xf32, #tpu.memory_space<vmem_shared>> -> memref<80x128xf32, #tpu.memory_space<vmem_shared>>
      tpu.enqueue_dma source(%arg11 : memref<80x128xf32, #tpu.memory_space<vmem>>) target(%dma_start3A_116 : memref<80x128xf32, #tpu.memory_space<vmem_shared>>) target_semaphore(%run_scoped3A : memref<!tpu.dma_semaphore, #tpu.memory_space<semaphore_mem>>)
      %dma_wait3A = arith.constant 0 : i32
      %dma_wait3A_117 = tpu.memref_slice %arg16[%add3A_77, %dma_wait3A] : memref<10240x128xf32, #tpu.memory_space<vmem_shared>> -> memref<80x128xf32, #tpu.memory_space<vmem_shared>>
      %dma_wait3A_118 = arith.constant 0 : i32
      %dma_wait3A_119 = tpu.memref_slice %arg16[%add3A_77, %dma_wait3A_118] : memref<10240x128xf32, #tpu.memory_space<vmem_shared>> -> memref<80x128xf32, #tpu.memory_space<vmem_shared>>
      tpu.wait_dma2 semaphore(%run_scoped3A : memref<!tpu.dma_semaphore, #tpu.memory_space<semaphore_mem>>) src(%arg11 : memref<80x128xf32, #tpu.memory_space<vmem>>) dst(%dma_wait3A_119 : memref<80x128xf32, #tpu.memory_space<vmem_shared>>)
      tpu.yield
    }) : () -> ()
    %mul3A_78 = arith.constant 640 : i32
    %mul3A_79 = arith.muli %arg1, %mul3A_78 : i32
    %add3A_80 = arith.constant 400 : i32
    %add3A_81 = arith.addi %mul3A_79, %add3A_80 : i32
    "tpu.region"() ({
      %run_scoped3A = tpu.sem_alloc : memref<!tpu.dma_semaphore, #tpu.memory_space<semaphore_mem>>
      %dma_start3A_113 = arith.constant 0 : i32
      %dma_start3A_114 = tpu.memref_slice %arg17[%add3A_81, %dma_start3A_113] : memref<10240x16xf32, #tpu.memory_space<vmem_shared>> -> memref<80x16xf32, #tpu.memory_space<vmem_shared>>
      %dma_start3A_115 = arith.constant 0 : i32
      %dma_start3A_116 = tpu.memref_slice %arg17[%add3A_81, %dma_start3A_115] : memref<10240x16xf32, #tpu.memory_space<vmem_shared>> -> memref<80x16xf32, #tpu.memory_space<vmem_shared>>
      tpu.enqueue_dma source(%arg15 : memref<80x16xf32, #tpu.memory_space<vmem>>) target(%dma_start3A_116 : memref<80x16xf32, #tpu.memory_space<vmem_shared>>) target_semaphore(%run_scoped3A : memref<!tpu.dma_semaphore, #tpu.memory_space<semaphore_mem>>)
      %dma_wait3A = arith.constant 0 : i32
      %dma_wait3A_117 = tpu.memref_slice %arg17[%add3A_81, %dma_wait3A] : memref<10240x16xf32, #tpu.memory_space<vmem_shared>> -> memref<80x16xf32, #tpu.memory_space<vmem_shared>>
      %dma_wait3A_118 = arith.constant 0 : i32
      %dma_wait3A_119 = tpu.memref_slice %arg17[%add3A_81, %dma_wait3A_118] : memref<10240x16xf32, #tpu.memory_space<vmem_shared>> -> memref<80x16xf32, #tpu.memory_space<vmem_shared>>
      tpu.wait_dma2 semaphore(%run_scoped3A : memref<!tpu.dma_semaphore, #tpu.memory_space<semaphore_mem>>) src(%arg15 : memref<80x16xf32, #tpu.memory_space<vmem>>) dst(%dma_wait3A_119 : memref<80x16xf32, #tpu.memory_space<vmem_shared>>)
      tpu.yield
    }) : () -> ()
    %mul3A_82 = arith.constant 640 : i32
    %mul3A_83 = arith.muli %arg1, %mul3A_82 : i32
    %add3A_84 = arith.constant 480 : i32
    %add3A_85 = arith.addi %mul3A_83, %add3A_84 : i32
    "tpu.region"() ({
      %run_scoped3A = tpu.sem_alloc : memref<!tpu.dma_semaphore, #tpu.memory_space<semaphore_mem>>
      %dma_start3A_113 = arith.constant 0 : i32
      %dma_start3A_114 = tpu.memref_slice %arg16[%add3A_85, %dma_start3A_113] : memref<10240x128xf32, #tpu.memory_space<vmem_shared>> -> memref<80x128xf32, #tpu.memory_space<vmem_shared>>
      %dma_start3A_115 = arith.constant 0 : i32
      %dma_start3A_116 = tpu.memref_slice %arg16[%add3A_85, %dma_start3A_115] : memref<10240x128xf32, #tpu.memory_space<vmem_shared>> -> memref<80x128xf32, #tpu.memory_space<vmem_shared>>
      tpu.enqueue_dma source(%arg11 : memref<80x128xf32, #tpu.memory_space<vmem>>) target(%dma_start3A_116 : memref<80x128xf32, #tpu.memory_space<vmem_shared>>) target_semaphore(%run_scoped3A : memref<!tpu.dma_semaphore, #tpu.memory_space<semaphore_mem>>)
      %dma_wait3A = arith.constant 0 : i32
      %dma_wait3A_117 = tpu.memref_slice %arg16[%add3A_85, %dma_wait3A] : memref<10240x128xf32, #tpu.memory_space<vmem_shared>> -> memref<80x128xf32, #tpu.memory_space<vmem_shared>>
      %dma_wait3A_118 = arith.constant 0 : i32
      %dma_wait3A_119 = tpu.memref_slice %arg16[%add3A_85, %dma_wait3A_118] : memref<10240x128xf32, #tpu.memory_space<vmem_shared>> -> memref<80x128xf32, #tpu.memory_space<vmem_shared>>
      tpu.wait_dma2 semaphore(%run_scoped3A : memref<!tpu.dma_semaphore, #tpu.memory_space<semaphore_mem>>) src(%arg11 : memref<80x128xf32, #tpu.memory_space<vmem>>) dst(%dma_wait3A_119 : memref<80x128xf32, #tpu.memory_space<vmem_shared>>)
      tpu.yield
    }) : () -> ()
    %mul3A_86 = arith.constant 640 : i32
    %mul3A_87 = arith.muli %arg1, %mul3A_86 : i32
    %add3A_88 = arith.constant 480 : i32
    %add3A_89 = arith.addi %mul3A_87, %add3A_88 : i32
    "tpu.region"() ({
      %run_scoped3A = tpu.sem_alloc : memref<!tpu.dma_semaphore, #tpu.memory_space<semaphore_mem>>
      %dma_start3A_113 = arith.constant 0 : i32
      %dma_start3A_114 = tpu.memref_slice %arg17[%add3A_89, %dma_start3A_113] : memref<10240x16xf32, #tpu.memory_space<vmem_shared>> -> memref<80x16xf32, #tpu.memory_space<vmem_shared>>
      %dma_start3A_115 = arith.constant 0 : i32
      %dma_start3A_116 = tpu.memref_slice %arg17[%add3A_89, %dma_start3A_115] : memref<10240x16xf32, #tpu.memory_space<vmem_shared>> -> memref<80x16xf32, #tpu.memory_space<vmem_shared>>
      tpu.enqueue_dma source(%arg15 : memref<80x16xf32, #tpu.memory_space<vmem>>) target(%dma_start3A_116 : memref<80x16xf32, #tpu.memory_space<vmem_shared>>) target_semaphore(%run_scoped3A : memref<!tpu.dma_semaphore, #tpu.memory_space<semaphore_mem>>)
      %dma_wait3A = arith.constant 0 : i32
      %dma_wait3A_117 = tpu.memref_slice %arg17[%add3A_89, %dma_wait3A] : memref<10240x16xf32, #tpu.memory_space<vmem_shared>> -> memref<80x16xf32, #tpu.memory_space<vmem_shared>>
      %dma_wait3A_118 = arith.constant 0 : i32
      %dma_wait3A_119 = tpu.memref_slice %arg17[%add3A_89, %dma_wait3A_118] : memref<10240x16xf32, #tpu.memory_space<vmem_shared>> -> memref<80x16xf32, #tpu.memory_space<vmem_shared>>
      tpu.wait_dma2 semaphore(%run_scoped3A : memref<!tpu.dma_semaphore, #tpu.memory_space<semaphore_mem>>) src(%arg15 : memref<80x16xf32, #tpu.memory_space<vmem>>) dst(%dma_wait3A_119 : memref<80x16xf32, #tpu.memory_space<vmem_shared>>)
      tpu.yield
    }) : () -> ()
    %mul3A_90 = arith.constant 640 : i32
    %mul3A_91 = arith.muli %arg1, %mul3A_90 : i32
    %add3A_92 = arith.constant 560 : i32
    %add3A_93 = arith.addi %mul3A_91, %add3A_92 : i32
    "tpu.region"() ({
      %run_scoped3A = tpu.sem_alloc : memref<!tpu.dma_semaphore, #tpu.memory_space<semaphore_mem>>
      %dma_start3A_113 = arith.constant 0 : i32
      %dma_start3A_114 = tpu.memref_slice %arg16[%add3A_93, %dma_start3A_113] : memref<10240x128xf32, #tpu.memory_space<vmem_shared>> -> memref<80x128xf32, #tpu.memory_space<vmem_shared>>
      %dma_start3A_115 = arith.constant 0 : i32
      %dma_start3A_116 = tpu.memref_slice %arg16[%add3A_93, %dma_start3A_115] : memref<10240x128xf32, #tpu.memory_space<vmem_shared>> -> memref<80x128xf32, #tpu.memory_space<vmem_shared>>
      tpu.enqueue_dma source(%arg11 : memref<80x128xf32, #tpu.memory_space<vmem>>) target(%dma_start3A_116 : memref<80x128xf32, #tpu.memory_space<vmem_shared>>) target_semaphore(%run_scoped3A : memref<!tpu.dma_semaphore, #tpu.memory_space<semaphore_mem>>)
      %dma_wait3A = arith.constant 0 : i32
      %dma_wait3A_117 = tpu.memref_slice %arg16[%add3A_93, %dma_wait3A] : memref<10240x128xf32, #tpu.memory_space<vmem_shared>> -> memref<80x128xf32, #tpu.memory_space<vmem_shared>>
      %dma_wait3A_118 = arith.constant 0 : i32
      %dma_wait3A_119 = tpu.memref_slice %arg16[%add3A_93, %dma_wait3A_118] : memref<10240x128xf32, #tpu.memory_space<vmem_shared>> -> memref<80x128xf32, #tpu.memory_space<vmem_shared>>
      tpu.wait_dma2 semaphore(%run_scoped3A : memref<!tpu.dma_semaphore, #tpu.memory_space<semaphore_mem>>) src(%arg11 : memref<80x128xf32, #tpu.memory_space<vmem>>) dst(%dma_wait3A_119 : memref<80x128xf32, #tpu.memory_space<vmem_shared>>)
      tpu.yield
    }) : () -> ()
    %mul3A_94 = arith.constant 640 : i32
    %mul3A_95 = arith.muli %arg1, %mul3A_94 : i32
    %add3A_96 = arith.constant 560 : i32
    %add3A_97 = arith.addi %mul3A_95, %add3A_96 : i32
    "tpu.region"() ({
      %run_scoped3A = tpu.sem_alloc : memref<!tpu.dma_semaphore, #tpu.memory_space<semaphore_mem>>
      %dma_start3A_113 = arith.constant 0 : i32
      %dma_start3A_114 = tpu.memref_slice %arg17[%add3A_97, %dma_start3A_113] : memref<10240x16xf32, #tpu.memory_space<vmem_shared>> -> memref<80x16xf32, #tpu.memory_space<vmem_shared>>
      %dma_start3A_115 = arith.constant 0 : i32
      %dma_start3A_116 = tpu.memref_slice %arg17[%add3A_97, %dma_start3A_115] : memref<10240x16xf32, #tpu.memory_space<vmem_shared>> -> memref<80x16xf32, #tpu.memory_space<vmem_shared>>
      tpu.enqueue_dma source(%arg15 : memref<80x16xf32, #tpu.memory_space<vmem>>) target(%dma_start3A_116 : memref<80x16xf32, #tpu.memory_space<vmem_shared>>) target_semaphore(%run_scoped3A : memref<!tpu.dma_semaphore, #tpu.memory_space<semaphore_mem>>)
      %dma_wait3A = arith.constant 0 : i32
      %dma_wait3A_117 = tpu.memref_slice %arg17[%add3A_97, %dma_wait3A] : memref<10240x16xf32, #tpu.memory_space<vmem_shared>> -> memref<80x16xf32, #tpu.memory_space<vmem_shared>>
      %dma_wait3A_118 = arith.constant 0 : i32
      %dma_wait3A_119 = tpu.memref_slice %arg17[%add3A_97, %dma_wait3A_118] : memref<10240x16xf32, #tpu.memory_space<vmem_shared>> -> memref<80x16xf32, #tpu.memory_space<vmem_shared>>
      tpu.wait_dma2 semaphore(%run_scoped3A : memref<!tpu.dma_semaphore, #tpu.memory_space<semaphore_mem>>) src(%arg15 : memref<80x16xf32, #tpu.memory_space<vmem>>) dst(%dma_wait3A_119 : memref<80x16xf32, #tpu.memory_space<vmem_shared>>)
      tpu.yield
    }) : () -> ()
    %barrier3A = arith.constant 0 : index
    tpu.barrier barrier_id(%barrier3A)
    %scan3A_98 = arith.constant 0 : i32
    %scan3A_99 = arith.constant 0 : i32
    %scan3A_100 = arith.constant 125 : i32
    %scan3A_101 = arith.addi %scan3A_99, %scan3A_100 : i32
    %scan3A_102 = arith.constant 1 : i32
    scf.for %scan3A_113 = %scan3A_99 to %scan3A_101 step %scan3A_102  : i32 {
      %rem3A = arith.constant 2 : i32
      %rem3A_114 = arith.remsi %scan3A_113, %rem3A : i32
      %mul3A_115 = arith.constant 80 : i32
      %mul3A_116 = arith.muli %scan3A_113, %mul3A_115 : i32
      %add3A_117 = arith.addi %mul3A_5, %mul3A_116 : i32
      %dma_wait3A = arith.constant 0 : i32
      %dma_wait3A_118 = tpu.memref_slice %arg12[%rem3A_114, %dma_wait3A] : memref<2x80xi32, #tpu.memory_space<vmem>> -> memref<1x80xi32, #tpu.memory_space<vmem>>
      %dma_wait3A_119 = tpu.memref_squeeze %dma_wait3A_118 : memref<1x80xi32, #tpu.memory_space<vmem>> -> memref<80xi32, #tpu.memory_space<vmem>>
      %dma_wait3A_120 = tpu.memref_slice %arg2[%add3A_117] : memref<320000xi32, #tpu.memory_space<hbm>> -> memref<80xi32, #tpu.memory_space<hbm>>
      %dma_wait3A_121 = arith.constant 0 : i32
      %dma_wait3A_122 = tpu.memref_slice %arg12[%rem3A_114, %dma_wait3A_121] : memref<2x80xi32, #tpu.memory_space<vmem>> -> memref<1x80xi32, #tpu.memory_space<vmem>>
      %dma_wait3A_123 = tpu.memref_squeeze %dma_wait3A_122 : memref<1x80xi32, #tpu.memory_space<vmem>> -> memref<80xi32, #tpu.memory_space<vmem>>
      %dma_wait3A_124 = tpu.memref_slice %arg2[%add3A_117] : memref<320000xi32, #tpu.memory_space<hbm>> -> memref<80xi32, #tpu.memory_space<hbm>>
      tpu.wait_dma2 semaphore(%arg18 : memref<!tpu.dma_semaphore, #tpu.memory_space<semaphore_mem>>) src(%dma_wait3A_124 : memref<80xi32, #tpu.memory_space<hbm>>) dst(%dma_wait3A_123 : memref<80xi32, #tpu.memory_space<vmem>>)
      %mul3A_125 = arith.constant 80 : i32
      %mul3A_126 = arith.muli %scan3A_113, %mul3A_125 : i32
      %add3A_127 = arith.addi %mul3A_5, %mul3A_126 : i32
      %dma_wait3A_128 = arith.constant 0 : i32
      %dma_wait3A_129 = tpu.memref_slice %arg13[%rem3A_114, %dma_wait3A_128] : memref<2x80xi32, #tpu.memory_space<vmem>> -> memref<1x80xi32, #tpu.memory_space<vmem>>
      %dma_wait3A_130 = tpu.memref_squeeze %dma_wait3A_129 : memref<1x80xi32, #tpu.memory_space<vmem>> -> memref<80xi32, #tpu.memory_space<vmem>>
      %dma_wait3A_131 = tpu.memref_slice %arg3[%add3A_127] : memref<320000xi32, #tpu.memory_space<hbm>> -> memref<80xi32, #tpu.memory_space<hbm>>
      %dma_wait3A_132 = arith.constant 0 : i32
      %dma_wait3A_133 = tpu.memref_slice %arg13[%rem3A_114, %dma_wait3A_132] : memref<2x80xi32, #tpu.memory_space<vmem>> -> memref<1x80xi32, #tpu.memory_space<vmem>>
      %dma_wait3A_134 = tpu.memref_squeeze %dma_wait3A_133 : memref<1x80xi32, #tpu.memory_space<vmem>> -> memref<80xi32, #tpu.memory_space<vmem>>
      %dma_wait3A_135 = tpu.memref_slice %arg3[%add3A_127] : memref<320000xi32, #tpu.memory_space<hbm>> -> memref<80xi32, #tpu.memory_space<hbm>>
      tpu.wait_dma2 semaphore(%arg19 : memref<!tpu.dma_semaphore, #tpu.memory_space<semaphore_mem>>) src(%dma_wait3A_135 : memref<80xi32, #tpu.memory_space<hbm>>) dst(%dma_wait3A_134 : memref<80xi32, #tpu.memory_space<vmem>>)
      %add3A_136 = arith.constant 1 : i32
      %add3A_137 = arith.addi %scan3A_113, %add3A_136 : i32
      %lt3A = arith.constant 125 : i32
      %lt3A_138 = arith.cmpi slt, %add3A_137, %lt3A : i32
      %convert_element_type3A = arith.extui %lt3A_138 : i1 to i32
      %cond3A = arith.constant 0 : i32
      %cond3A_139 = arith.cmpi ne, %convert_element_type3A, %cond3A : i32
      scf.if %cond3A_139 {
        %add3A_265 = arith.constant 1 : i32
        %add3A_266 = arith.addi %scan3A_113, %add3A_265 : i32
        %rem3A_267 = arith.constant 2 : i32
        %rem3A_268 = arith.remsi %add3A_266, %rem3A_267 : i32
        %add3A_269 = arith.constant 1 : i32
        %add3A_270 = arith.addi %scan3A_113, %add3A_269 : i32
        %mul3A_271 = arith.constant 80 : i32
        %mul3A_272 = arith.muli %add3A_270, %mul3A_271 : i32
        %add3A_273 = arith.addi %mul3A_5, %mul3A_272 : i32
        %dma_start3A_274 = arith.constant 0 : i32
        %dma_start3A_275 = tpu.memref_slice %arg12[%rem3A_268, %dma_start3A_274] : memref<2x80xi32, #tpu.memory_space<vmem>> -> memref<1x80xi32, #tpu.memory_space<vmem>>
        %dma_start3A_276 = tpu.memref_squeeze %dma_start3A_275 : memref<1x80xi32, #tpu.memory_space<vmem>> -> memref<80xi32, #tpu.memory_space<vmem>>
        %dma_start3A_277 = tpu.memref_slice %arg2[%add3A_273] : memref<320000xi32, #tpu.memory_space<hbm>> -> memref<80xi32, #tpu.memory_space<hbm>>
        %dma_start3A_278 = arith.constant 0 : i32
        %dma_start3A_279 = tpu.memref_slice %arg12[%rem3A_268, %dma_start3A_278] : memref<2x80xi32, #tpu.memory_space<vmem>> -> memref<1x80xi32, #tpu.memory_space<vmem>>
        %dma_start3A_280 = tpu.memref_squeeze %dma_start3A_279 : memref<1x80xi32, #tpu.memory_space<vmem>> -> memref<80xi32, #tpu.memory_space<vmem>>
        %dma_start3A_281 = tpu.memref_slice %arg2[%add3A_273] : memref<320000xi32, #tpu.memory_space<hbm>> -> memref<80xi32, #tpu.memory_space<hbm>>
        tpu.enqueue_dma source(%dma_start3A_281 : memref<80xi32, #tpu.memory_space<hbm>>) target(%dma_start3A_280 : memref<80xi32, #tpu.memory_space<vmem>>) target_semaphore(%arg18 : memref<!tpu.dma_semaphore, #tpu.memory_space<semaphore_mem>>)
        %add3A_282 = arith.constant 1 : i32
        %add3A_283 = arith.addi %scan3A_113, %add3A_282 : i32
        %mul3A_284 = arith.constant 80 : i32
        %mul3A_285 = arith.muli %add3A_283, %mul3A_284 : i32
        %add3A_286 = arith.addi %mul3A_5, %mul3A_285 : i32
        %dma_start3A_287 = arith.constant 0 : i32
        %dma_start3A_288 = tpu.memref_slice %arg13[%rem3A_268, %dma_start3A_287] : memref<2x80xi32, #tpu.memory_space<vmem>> -> memref<1x80xi32, #tpu.memory_space<vmem>>
        %dma_start3A_289 = tpu.memref_squeeze %dma_start3A_288 : memref<1x80xi32, #tpu.memory_space<vmem>> -> memref<80xi32, #tpu.memory_space<vmem>>
        %dma_start3A_290 = tpu.memref_slice %arg3[%add3A_286] : memref<320000xi32, #tpu.memory_space<hbm>> -> memref<80xi32, #tpu.memory_space<hbm>>
        %dma_start3A_291 = arith.constant 0 : i32
        %dma_start3A_292 = tpu.memref_slice %arg13[%rem3A_268, %dma_start3A_291] : memref<2x80xi32, #tpu.memory_space<vmem>> -> memref<1x80xi32, #tpu.memory_space<vmem>>
        %dma_start3A_293 = tpu.memref_squeeze %dma_start3A_292 : memref<1x80xi32, #tpu.memory_space<vmem>> -> memref<80xi32, #tpu.memory_space<vmem>>
        %dma_start3A_294 = tpu.memref_slice %arg3[%add3A_286] : memref<320000xi32, #tpu.memory_space<hbm>> -> memref<80xi32, #tpu.memory_space<hbm>>
        tpu.enqueue_dma source(%dma_start3A_294 : memref<80xi32, #tpu.memory_space<hbm>>) target(%dma_start3A_293 : memref<80xi32, #tpu.memory_space<vmem>>) target_semaphore(%arg19 : memref<!tpu.dma_semaphore, #tpu.memory_space<semaphore_mem>>)
      } else {
      }
      %dma_start3A_140 = arith.constant 0 : i32
      %dma_start3A_141 = tpu.memref_slice %arg12[%rem3A_114, %dma_start3A_140] : memref<2x80xi32, #tpu.memory_space<vmem>> -> memref<1x80xi32, #tpu.memory_space<vmem>>
      %dma_start3A_142 = tpu.memref_squeeze %dma_start3A_141 : memref<1x80xi32, #tpu.memory_space<vmem>> -> memref<80xi32, #tpu.memory_space<vmem>>
      %dma_start3A_143 = arith.constant 0 : i32
      %dma_start3A_144 = arith.constant 0 : i32
      %dma_start3A_145 = tpu.memref_slice %arg6[%dma_start3A_143, %dma_start3A_144] : memref<10000x128xf32, #tpu.memory_space<hbm>> -> memref<10000x128xf32, #tpu.memory_space<hbm>>
      tpu.enqueue_indirect_dma source(%dma_start3A_145 : memref<10000x128xf32, #tpu.memory_space<hbm>>) target(%arg11 : memref<80x128xf32, #tpu.memory_space<vmem>>) offsets(%dma_start3A_142 : memref<80xi32, #tpu.memory_space<vmem>>) semaphore(%arg20 : memref<!tpu.dma_semaphore, #tpu.memory_space<semaphore_mem>>)
      %get3A = arith.index_cast %rem3A_114 : i32 to index
      %get3A_146 = arith.constant 0 : index
      %get3A_147 = tpu.vector_load %arg12[%get3A, %get3A_146] {strides = array<i32>} : memref<2x80xi32, #tpu.memory_space<vmem>>, vector<16xi32>,
      %get3A_148 = arith.index_cast %rem3A_114 : i32 to index
      %get3A_149 = arith.constant 0 : index
      %get3A_150 = tpu.vector_load %arg13[%get3A_148, %get3A_149] {strides = array<i32>} : memref<2x80xi32, #tpu.memory_space<vmem>>, vector<16xi32>,
      %gather3A = tpu.vector_load_idx %arg9[%get3A_147] : memref<10240xf32, #tpu.memory_space<vmem>>[vector<16xi32>], vector<16xf32>,
      %gather3A_151 = tpu.vector_load_idx %arg10[%get3A_150] : memref<10240xf32, #tpu.memory_space<vmem>>[vector<16xi32>], vector<16xf32>,
      %add3A_152 = arith.addf %gather3A, %gather3A_151 : vector<16xf32>
      %mul3A_153 = arith.constant 2.000000e-01 : f32
      %mul3A_154 = vector.broadcast %mul3A_153 : f32 to vector<16xf32>
      %mul3A_155 = arith.mulf %mul3A_154, %add3A_152 : vector<16xf32>
      %max3A = arith.maximumf %add3A_152, %mul3A_155 : vector<16xf32>
      %exp3A = math.exp %max3A : vector<16xf32>
      %add3A_156 = arith.constant 0 : i32
      %add3A_157 = vector.broadcast %add3A_156 : i32 to vector<16xi32>
      %add3A_158 = arith.addi %add3A_157, %iota3A : vector<16xi32>
      tpu.vector_store_idx %arg15[%add3A_158, %broadcast_in_dim3A_0], %exp3A : memref<80x16xf32, #tpu.memory_space<vmem>>[vector<16xi32>, vector<16xi32>], vector<16xf32>,
      %ne3A = arith.cmpi ne, %get3A_147, %get3A_150 : vector<16xi32>
      %jit3A = arith.constant 10200 : i32
      %broadcast_in_dim3A_159 = vector.broadcast %jit3A : i32 to vector<16xi32>
      %select_n3A = arith.select %ne3A, %get3A_150, %broadcast_in_dim3A_159 : vector<16xi1>, vector<16xi32>
      %swap3A = arith.constant 0 : index
      %swap3A_160 = tpu.vector_load %arg14[%swap3A] {strides = array<i32>} : memref<80xi32, #tpu.memory_space<vmem>>, vector<16xi32>,
      tpu.vector_store %arg14[%swap3A], %select_n3A {strides = array<i32>} : memref<80xi32, #tpu.memory_space<vmem>>, vector<16xi32>,
      %get3A_161 = arith.index_cast %rem3A_114 : i32 to index
      %get3A_162 = arith.constant 16 : index
      %get3A_163 = tpu.vector_load %arg12[%get3A_161, %get3A_162] {strides = array<i32>} : memref<2x80xi32, #tpu.memory_space<vmem>>, vector<16xi32>,
      %get3A_164 = arith.index_cast %rem3A_114 : i32 to index
      %get3A_165 = arith.constant 16 : index
      %get3A_166 = tpu.vector_load %arg13[%get3A_164, %get3A_165] {strides = array<i32>} : memref<2x80xi32, #tpu.memory_space<vmem>>, vector<16xi32>,
      %gather3A_167 = tpu.vector_load_idx %arg9[%get3A_163] : memref<10240xf32, #tpu.memory_space<vmem>>[vector<16xi32>], vector<16xf32>,
      %gather3A_168 = tpu.vector_load_idx %arg10[%get3A_166] : memref<10240xf32, #tpu.memory_space<vmem>>[vector<16xi32>], vector<16xf32>,
      %add3A_169 = arith.addf %gather3A_167, %gather3A_168 : vector<16xf32>
      %mul3A_170 = arith.constant 2.000000e-01 : f32
      %mul3A_171 = vector.broadcast %mul3A_170 : f32 to vector<16xf32>
      %mul3A_172 = arith.mulf %mul3A_171, %add3A_169 : vector<16xf32>
      %max3A_173 = arith.maximumf %add3A_169, %mul3A_172 : vector<16xf32>
      %exp3A_174 = math.exp %max3A_173 : vector<16xf32>
      %add3A_175 = arith.constant 16 : i32
      %add3A_176 = vector.broadcast %add3A_175 : i32 to vector<16xi32>
      %add3A_177 = arith.addi %add3A_176, %iota3A : vector<16xi32>
      tpu.vector_store_idx %arg15[%add3A_177, %broadcast_in_dim3A_0], %exp3A_174 : memref<80x16xf32, #tpu.memory_space<vmem>>[vector<16xi32>, vector<16xi32>], vector<16xf32>,
      %ne3A_178 = arith.cmpi ne, %get3A_163, %get3A_166 : vector<16xi32>
      %jit3A_179 = arith.constant 10200 : i32
      %broadcast_in_dim3A_180 = vector.broadcast %jit3A_179 : i32 to vector<16xi32>
      %select_n3A_181 = arith.select %ne3A_178, %get3A_166, %broadcast_in_dim3A_180 : vector<16xi1>, vector<16xi32>
      %swap3A_182 = arith.constant 16 : index
      %swap3A_183 = tpu.vector_load %arg14[%swap3A_182] {strides = array<i32>} : memref<80xi32, #tpu.memory_space<vmem>>, vector<16xi32>,
      tpu.vector_store %arg14[%swap3A_182], %select_n3A_181 {strides = array<i32>} : memref<80xi32, #tpu.memory_space<vmem>>, vector<16xi32>,
      %get3A_184 = arith.index_cast %rem3A_114 : i32 to index
      %get3A_185 = arith.constant 32 : index
      %get3A_186 = tpu.vector_load %arg12[%get3A_184, %get3A_185] {strides = array<i32>} : memref<2x80xi32, #tpu.memory_space<vmem>>, vector<16xi32>,
      %get3A_187 = arith.index_cast %rem3A_114 : i32 to index
      %get3A_188 = arith.constant 32 : index
      %get3A_189 = tpu.vector_load %arg13[%get3A_187, %get3A_188] {strides = array<i32>} : memref<2x80xi32, #tpu.memory_space<vmem>>, vector<16xi32>,
      %gather3A_190 = tpu.vector_load_idx %arg9[%get3A_186] : memref<10240xf32, #tpu.memory_space<vmem>>[vector<16xi32>], vector<16xf32>,
      %gather3A_191 = tpu.vector_load_idx %arg10[%get3A_189] : memref<10240xf32, #tpu.memory_space<vmem>>[vector<16xi32>], vector<16xf32>,
      %add3A_192 = arith.addf %gather3A_190, %gather3A_191 : vector<16xf32>
      %mul3A_193 = arith.constant 2.000000e-01 : f32
      %mul3A_194 = vector.broadcast %mul3A_193 : f32 to vector<16xf32>
      %mul3A_195 = arith.mulf %mul3A_194, %add3A_192 : vector<16xf32>
      %max3A_196 = arith.maximumf %add3A_192, %mul3A_195 : vector<16xf32>
      %exp3A_197 = math.exp %max3A_196 : vector<16xf32>
      %add3A_198 = arith.constant 32 : i32
      %add3A_199 = vector.broadcast %add3A_198 : i32 to vector<16xi32>
      %add3A_200 = arith.addi %add3A_199, %iota3A : vector<16xi32>
      tpu.vector_store_idx %arg15[%add3A_200, %broadcast_in_dim3A_0], %exp3A_197 : memref<80x16xf32, #tpu.memory_space<vmem>>[vector<16xi32>, vector<16xi32>], vector<16xf32>,
      %ne3A_201 = arith.cmpi ne, %get3A_186, %get3A_189 : vector<16xi32>
      %jit3A_202 = arith.constant 10200 : i32
      %broadcast_in_dim3A_203 = vector.broadcast %jit3A_202 : i32 to vector<16xi32>
      %select_n3A_204 = arith.select %ne3A_201, %get3A_189, %broadcast_in_dim3A_203 : vector<16xi1>, vector<16xi32>
      %swap3A_205 = arith.constant 32 : index
      %swap3A_206 = tpu.vector_load %arg14[%swap3A_205] {strides = array<i32>} : memref<80xi32, #tpu.memory_space<vmem>>, vector<16xi32>,
      tpu.vector_store %arg14[%swap3A_205], %select_n3A_204 {strides = array<i32>} : memref<80xi32, #tpu.memory_space<vmem>>, vector<16xi32>,
      %get3A_207 = arith.index_cast %rem3A_114 : i32 to index
      %get3A_208 = arith.constant 48 : index
      %get3A_209 = tpu.vector_load %arg12[%get3A_207, %get3A_208] {strides = array<i32>} : memref<2x80xi32, #tpu.memory_space<vmem>>, vector<16xi32>,
      %get3A_210 = arith.index_cast %rem3A_114 : i32 to index
      %get3A_211 = arith.constant 48 : index
      %get3A_212 = tpu.vector_load %arg13[%get3A_210, %get3A_211] {strides = array<i32>} : memref<2x80xi32, #tpu.memory_space<vmem>>, vector<16xi32>,
      %gather3A_213 = tpu.vector_load_idx %arg9[%get3A_209] : memref<10240xf32, #tpu.memory_space<vmem>>[vector<16xi32>], vector<16xf32>,
      %gather3A_214 = tpu.vector_load_idx %arg10[%get3A_212] : memref<10240xf32, #tpu.memory_space<vmem>>[vector<16xi32>], vector<16xf32>,
      %add3A_215 = arith.addf %gather3A_213, %gather3A_214 : vector<16xf32>
      %mul3A_216 = arith.constant 2.000000e-01 : f32
      %mul3A_217 = vector.broadcast %mul3A_216 : f32 to vector<16xf32>
      %mul3A_218 = arith.mulf %mul3A_217, %add3A_215 : vector<16xf32>
      %max3A_219 = arith.maximumf %add3A_215, %mul3A_218 : vector<16xf32>
      %exp3A_220 = math.exp %max3A_219 : vector<16xf32>
      %add3A_221 = arith.constant 48 : i32
      %add3A_222 = vector.broadcast %add3A_221 : i32 to vector<16xi32>
      %add3A_223 = arith.addi %add3A_222, %iota3A : vector<16xi32>
      tpu.vector_store_idx %arg15[%add3A_223, %broadcast_in_dim3A_0], %exp3A_220 : memref<80x16xf32, #tpu.memory_space<vmem>>[vector<16xi32>, vector<16xi32>], vector<16xf32>,
      %ne3A_224 = arith.cmpi ne, %get3A_209, %get3A_212 : vector<16xi32>
      %jit3A_225 = arith.constant 10200 : i32
      %broadcast_in_dim3A_226 = vector.broadcast %jit3A_225 : i32 to vector<16xi32>
      %select_n3A_227 = arith.select %ne3A_224, %get3A_212, %broadcast_in_dim3A_226 : vector<16xi1>, vector<16xi32>
      %swap3A_228 = arith.constant 48 : index
      %swap3A_229 = tpu.vector_load %arg14[%swap3A_228] {strides = array<i32>} : memref<80xi32, #tpu.memory_space<vmem>>, vector<16xi32>,
      tpu.vector_store %arg14[%swap3A_228], %select_n3A_227 {strides = array<i32>} : memref<80xi32, #tpu.memory_space<vmem>>, vector<16xi32>,
      %get3A_230 = arith.index_cast %rem3A_114 : i32 to index
      %get3A_231 = arith.constant 64 : index
      %get3A_232 = tpu.vector_load %arg12[%get3A_230, %get3A_231] {strides = array<i32>} : memref<2x80xi32, #tpu.memory_space<vmem>>, vector<16xi32>,
      %get3A_233 = arith.index_cast %rem3A_114 : i32 to index
      %get3A_234 = arith.constant 64 : index
      %get3A_235 = tpu.vector_load %arg13[%get3A_233, %get3A_234] {strides = array<i32>} : memref<2x80xi32, #tpu.memory_space<vmem>>, vector<16xi32>,
      %gather3A_236 = tpu.vector_load_idx %arg9[%get3A_232] : memref<10240xf32, #tpu.memory_space<vmem>>[vector<16xi32>], vector<16xf32>,
      %gather3A_237 = tpu.vector_load_idx %arg10[%get3A_235] : memref<10240xf32, #tpu.memory_space<vmem>>[vector<16xi32>], vector<16xf32>,
      %add3A_238 = arith.addf %gather3A_236, %gather3A_237 : vector<16xf32>
      %mul3A_239 = arith.constant 2.000000e-01 : f32
      %mul3A_240 = vector.broadcast %mul3A_239 : f32 to vector<16xf32>
      %mul3A_241 = arith.mulf %mul3A_240, %add3A_238 : vector<16xf32>
      %max3A_242 = arith.maximumf %add3A_238, %mul3A_241 : vector<16xf32>
      %exp3A_243 = math.exp %max3A_242 : vector<16xf32>
      %add3A_244 = arith.constant 64 : i32
      %add3A_245 = vector.broadcast %add3A_244 : i32 to vector<16xi32>
      %add3A_246 = arith.addi %add3A_245, %iota3A : vector<16xi32>
      tpu.vector_store_idx %arg15[%add3A_246, %broadcast_in_dim3A_0], %exp3A_243 : memref<80x16xf32, #tpu.memory_space<vmem>>[vector<16xi32>, vector<16xi32>], vector<16xf32>,
      %ne3A_247 = arith.cmpi ne, %get3A_232, %get3A_235 : vector<16xi32>
      %jit3A_248 = arith.constant 10200 : i32
      %broadcast_in_dim3A_249 = vector.broadcast %jit3A_248 : i32 to vector<16xi32>
      %select_n3A_250 = arith.select %ne3A_247, %get3A_235, %broadcast_in_dim3A_249 : vector<16xi1>, vector<16xi32>
      %swap3A_251 = arith.constant 64 : index
      %swap3A_252 = tpu.vector_load %arg14[%swap3A_251] {strides = array<i32>} : memref<80xi32, #tpu.memory_space<vmem>>, vector<16xi32>,
      tpu.vector_store %arg14[%swap3A_251], %select_n3A_250 {strides = array<i32>} : memref<80xi32, #tpu.memory_space<vmem>>, vector<16xi32>,
      %dma_wait3A_253 = arith.constant 0 : i32
      %dma_wait3A_254 = tpu.memref_slice %arg12[%rem3A_114, %dma_wait3A_253] : memref<2x80xi32, #tpu.memory_space<vmem>> -> memref<1x80xi32, #tpu.memory_space<vmem>>
      %dma_wait3A_255 = tpu.memref_squeeze %dma_wait3A_254 : memref<1x80xi32, #tpu.memory_space<vmem>> -> memref<80xi32, #tpu.memory_space<vmem>>
      %dma_wait3A_256 = arith.constant 0 : i32
      %dma_wait3A_257 = arith.constant 0 : i32
      %dma_wait3A_258 = tpu.memref_slice %arg6[%dma_wait3A_256, %dma_wait3A_257] : memref<10000x128xf32, #tpu.memory_space<hbm>> -> memref<10000x128xf32, #tpu.memory_space<hbm>>
      tpu.wait_indirect_dma semaphore(%arg20 : memref<!tpu.dma_semaphore, #tpu.memory_space<semaphore_mem>>) src(%dma_wait3A_258 : memref<10000x128xf32, #tpu.memory_space<hbm>>) dst(%arg11 : memref<80x128xf32, #tpu.memory_space<vmem>>)
      %scan3A_259 = arith.constant 0 : i32
      %scan3A_260 = arith.constant 0 : i32
      %scan3A_261 = arith.constant 80 : i32
      %scan3A_262 = arith.addi %scan3A_260, %scan3A_261 : i32
      %scan3A_263 = arith.constant 1 : i32
      scf.for %scan3A_265 = %scan3A_260 to %scan3A_262 step %scan3A_263  : i32 {
        %broadcast_in_dim3A_266 = vector.broadcast %scan3A_265 : i32 to vector<16xi32>
        %gather3A_267 = tpu.vector_load_idx %arg15[%broadcast_in_dim3A_266, %broadcast_in_dim3A_0] : memref<80x16xf32, #tpu.memory_space<vmem>>[vector<16xi32>, vector<16xi32>], vector<16xf32>,
        %get3A_268 = arith.index_cast %scan3A_265 : i32 to index
        %get3A_269 = arith.constant 0 : index
        %get3A_270 = tpu.vector_load %arg11[%get3A_268, %get3A_269] {strides = array<i32>} : memref<80x128xf32, #tpu.memory_space<vmem>>, vector<16xf32>,
        %mul3A_271 = arith.mulf %get3A_270, %gather3A_267 : vector<16xf32>
        %swap3A_272 = arith.index_cast %scan3A_265 : i32 to index
        %swap3A_273 = arith.constant 0 : index
        %swap3A_274 = tpu.vector_load %arg11[%swap3A_272, %swap3A_273] {strides = array<i32>} : memref<80x128xf32, #tpu.memory_space<vmem>>, vector<16xf32>,
        tpu.vector_store %arg11[%swap3A_272, %swap3A_273], %mul3A_271 {strides = array<i32>} : memref<80x128xf32, #tpu.memory_space<vmem>>, vector<16xf32>,
        %get3A_275 = arith.index_cast %scan3A_265 : i32 to index
        %get3A_276 = arith.constant 16 : index
        %get3A_277 = tpu.vector_load %arg11[%get3A_275, %get3A_276] {strides = array<i32>} : memref<80x128xf32, #tpu.memory_space<vmem>>, vector<16xf32>,
        %mul3A_278 = arith.mulf %get3A_277, %gather3A_267 : vector<16xf32>
        %swap3A_279 = arith.index_cast %scan3A_265 : i32 to index
        %swap3A_280 = arith.constant 16 : index
        %swap3A_281 = tpu.vector_load %arg11[%swap3A_279, %swap3A_280] {strides = array<i32>} : memref<80x128xf32, #tpu.memory_space<vmem>>, vector<16xf32>,
        tpu.vector_store %arg11[%swap3A_279, %swap3A_280], %mul3A_278 {strides = array<i32>} : memref<80x128xf32, #tpu.memory_space<vmem>>, vector<16xf32>,
        %get3A_282 = arith.index_cast %scan3A_265 : i32 to index
        %get3A_283 = arith.constant 32 : index
        %get3A_284 = tpu.vector_load %arg11[%get3A_282, %get3A_283] {strides = array<i32>} : memref<80x128xf32, #tpu.memory_space<vmem>>, vector<16xf32>,
        %mul3A_285 = arith.mulf %get3A_284, %gather3A_267 : vector<16xf32>
        %swap3A_286 = arith.index_cast %scan3A_265 : i32 to index
        %swap3A_287 = arith.constant 32 : index
        %swap3A_288 = tpu.vector_load %arg11[%swap3A_286, %swap3A_287] {strides = array<i32>} : memref<80x128xf32, #tpu.memory_space<vmem>>, vector<16xf32>,
        tpu.vector_store %arg11[%swap3A_286, %swap3A_287], %mul3A_285 {strides = array<i32>} : memref<80x128xf32, #tpu.memory_space<vmem>>, vector<16xf32>,
        %get3A_289 = arith.index_cast %scan3A_265 : i32 to index
        %get3A_290 = arith.constant 48 : index
        %get3A_291 = tpu.vector_load %arg11[%get3A_289, %get3A_290] {strides = array<i32>} : memref<80x128xf32, #tpu.memory_space<vmem>>, vector<16xf32>,
        %mul3A_292 = arith.mulf %get3A_291, %gather3A_267 : vector<16xf32>
        %swap3A_293 = arith.index_cast %scan3A_265 : i32 to index
        %swap3A_294 = arith.constant 48 : index
        %swap3A_295 = tpu.vector_load %arg11[%swap3A_293, %swap3A_294] {strides = array<i32>} : memref<80x128xf32, #tpu.memory_space<vmem>>, vector<16xf32>,
        tpu.vector_store %arg11[%swap3A_293, %swap3A_294], %mul3A_292 {strides = array<i32>} : memref<80x128xf32, #tpu.memory_space<vmem>>, vector<16xf32>,
        %get3A_296 = arith.index_cast %scan3A_265 : i32 to index
        %get3A_297 = arith.constant 64 : index
        %get3A_298 = tpu.vector_load %arg11[%get3A_296, %get3A_297] {strides = array<i32>} : memref<80x128xf32, #tpu.memory_space<vmem>>, vector<16xf32>,
        %mul3A_299 = arith.mulf %get3A_298, %gather3A_267 : vector<16xf32>
        %swap3A_300 = arith.index_cast %scan3A_265 : i32 to index
        %swap3A_301 = arith.constant 64 : index
        %swap3A_302 = tpu.vector_load %arg11[%swap3A_300, %swap3A_301] {strides = array<i32>} : memref<80x128xf32, #tpu.memory_space<vmem>>, vector<16xf32>,
        tpu.vector_store %arg11[%swap3A_300, %swap3A_301], %mul3A_299 {strides = array<i32>} : memref<80x128xf32, #tpu.memory_space<vmem>>, vector<16xf32>,
        %get3A_303 = arith.index_cast %scan3A_265 : i32 to index
        %get3A_304 = arith.constant 80 : index
        %get3A_305 = tpu.vector_load %arg11[%get3A_303, %get3A_304] {strides = array<i32>} : memref<80x128xf32, #tpu.memory_space<vmem>>, vector<16xf32>,
        %mul3A_306 = arith.mulf %get3A_305, %gather3A_267 : vector<16xf32>
        %swap3A_307 = arith.index_cast %scan3A_265 : i32 to index
        %swap3A_308 = arith.constant 80 : index
        %swap3A_309 = tpu.vector_load %arg11[%swap3A_307, %swap3A_308] {strides = array<i32>} : memref<80x128xf32, #tpu.memory_space<vmem>>, vector<16xf32>,
        tpu.vector_store %arg11[%swap3A_307, %swap3A_308], %mul3A_306 {strides = array<i32>} : memref<80x128xf32, #tpu.memory_space<vmem>>, vector<16xf32>,
        %get3A_310 = arith.index_cast %scan3A_265 : i32 to index
        %get3A_311 = arith.constant 96 : index
        %get3A_312 = tpu.vector_load %arg11[%get3A_310, %get3A_311] {strides = array<i32>} : memref<80x128xf32, #tpu.memory_space<vmem>>, vector<16xf32>,
        %mul3A_313 = arith.mulf %get3A_312, %gather3A_267 : vector<16xf32>
        %swap3A_314 = arith.index_cast %scan3A_265 : i32 to index
        %swap3A_315 = arith.constant 96 : index
        %swap3A_316 = tpu.vector_load %arg11[%swap3A_314, %swap3A_315] {strides = array<i32>} : memref<80x128xf32, #tpu.memory_space<vmem>>, vector<16xf32>,
        tpu.vector_store %arg11[%swap3A_314, %swap3A_315], %mul3A_313 {strides = array<i32>} : memref<80x128xf32, #tpu.memory_space<vmem>>, vector<16xf32>,
        %get3A_317 = arith.index_cast %scan3A_265 : i32 to index
        %get3A_318 = arith.constant 112 : index
        %get3A_319 = tpu.vector_load %arg11[%get3A_317, %get3A_318] {strides = array<i32>} : memref<80x128xf32, #tpu.memory_space<vmem>>, vector<16xf32>,
        %mul3A_320 = arith.mulf %get3A_319, %gather3A_267 : vector<16xf32>
        %swap3A_321 = arith.index_cast %scan3A_265 : i32 to index
        %swap3A_322 = arith.constant 112 : index
        %swap3A_323 = tpu.vector_load %arg11[%swap3A_321, %swap3A_322] {strides = array<i32>} : memref<80x128xf32, #tpu.memory_space<vmem>>, vector<16xf32>,
        tpu.vector_store %arg11[%swap3A_321, %swap3A_322], %mul3A_320 {strides = array<i32>} : memref<80x128xf32, #tpu.memory_space<vmem>>, vector<16xf32>,
      }
      %scan3A_264 = arith.constant 80 : i32
      "tpu.region"() ({
        %run_scoped3A = tpu.sem_alloc : memref<!tpu.dma_semaphore, #tpu.memory_space<semaphore_mem>>
        %dma_start3A_265 = arith.constant 0 : i32
        %dma_start3A_266 = arith.constant 0 : i32
        %dma_start3A_267 = tpu.memref_slice %arg16[%dma_start3A_265, %dma_start3A_266] : memref<10240x128xf32, #tpu.memory_space<vmem_shared>> -> memref<10240x128xf32, #tpu.memory_space<vmem_shared>>
        tpu.enqueue_indirect_dma source(%arg11 : memref<80x128xf32, #tpu.memory_space<vmem>>) target(%dma_start3A_267 : memref<10240x128xf32, #tpu.memory_space<vmem_shared>>) offsets(%arg14 : memref<80xi32, #tpu.memory_space<vmem>>) semaphore(%run_scoped3A : memref<!tpu.dma_semaphore, #tpu.memory_space<semaphore_mem>>) {add = true}
        %dma_wait3A_268 = arith.constant 0 : i32
        %dma_wait3A_269 = arith.constant 0 : i32
        %dma_wait3A_270 = tpu.memref_slice %arg16[%dma_wait3A_268, %dma_wait3A_269] : memref<10240x128xf32, #tpu.memory_space<vmem_shared>> -> memref<10240x128xf32, #tpu.memory_space<vmem_shared>>
        tpu.wait_indirect_dma semaphore(%run_scoped3A : memref<!tpu.dma_semaphore, #tpu.memory_space<semaphore_mem>>) src(%arg11 : memref<80x128xf32, #tpu.memory_space<vmem>>) dst(%dma_wait3A_270 : memref<10240x128xf32, #tpu.memory_space<vmem_shared>>)
        tpu.yield
      }) : () -> ()
      "tpu.region"() ({
        %run_scoped3A = tpu.sem_alloc : memref<!tpu.dma_semaphore, #tpu.memory_space<semaphore_mem>>
        %dma_start3A_265 = arith.constant 0 : i32
        %dma_start3A_266 = arith.constant 0 : i32
        %dma_start3A_267 = tpu.memref_slice %arg17[%dma_start3A_265, %dma_start3A_266] : memref<10240x16xf32, #tpu.memory_space<vmem_shared>> -> memref<10240x16xf32, #tpu.memory_space<vmem_shared>>
        tpu.enqueue_indirect_dma source(%arg15 : memref<80x16xf32, #tpu.memory_space<vmem>>) target(%dma_start3A_267 : memref<10240x16xf32, #tpu.memory_space<vmem_shared>>) offsets(%arg14 : memref<80xi32, #tpu.memory_space<vmem>>) semaphore(%run_scoped3A : memref<!tpu.dma_semaphore, #tpu.memory_space<semaphore_mem>>) {add = true}
        %dma_wait3A_268 = arith.constant 0 : i32
        %dma_wait3A_269 = arith.constant 0 : i32
        %dma_wait3A_270 = tpu.memref_slice %arg17[%dma_wait3A_268, %dma_wait3A_269] : memref<10240x16xf32, #tpu.memory_space<vmem_shared>> -> memref<10240x16xf32, #tpu.memory_space<vmem_shared>>
        tpu.wait_indirect_dma semaphore(%run_scoped3A : memref<!tpu.dma_semaphore, #tpu.memory_space<semaphore_mem>>) src(%arg15 : memref<80x16xf32, #tpu.memory_space<vmem>>) dst(%dma_wait3A_270 : memref<10240x16xf32, #tpu.memory_space<vmem_shared>>)
        tpu.yield
      }) : () -> ()
    }
    %scan3A_103 = arith.constant 125 : i32
    %barrier3A_104 = arith.constant 0 : index
    tpu.barrier barrier_id(%barrier3A_104)
    %mul3A_105 = arith.constant 640 : i32
    %mul3A_106 = arith.muli %arg1, %mul3A_105 : i32
    %mul3A_107 = arith.constant 640 : i32
    %mul3A_108 = arith.muli %arg1, %mul3A_107 : i32
    "tpu.region"() ({
      %run_scoped3A = tpu.sem_alloc : memref<!tpu.dma_semaphore, #tpu.memory_space<semaphore_mem>>
      %dma_start3A_113 = arith.constant 0 : i32
      %dma_start3A_114 = tpu.memref_slice %arg7[%arg0, %mul3A_108, %dma_start3A_113] : memref<2x10240x128xf32, #tpu.memory_space<hbm>> -> memref<1x640x128xf32, #tpu.memory_space<hbm>>
      %dma_start3A_115 = tpu.memref_squeeze %dma_start3A_114 : memref<1x640x128xf32, #tpu.memory_space<hbm>> -> memref<640x128xf32, #tpu.memory_space<hbm>>
      %dma_start3A_116 = arith.constant 0 : i32
      %dma_start3A_117 = tpu.memref_slice %arg16[%mul3A_106, %dma_start3A_116] : memref<10240x128xf32, #tpu.memory_space<vmem_shared>> -> memref<640x128xf32, #tpu.memory_space<vmem_shared>>
      tpu.enqueue_dma source(%dma_start3A_117 : memref<640x128xf32, #tpu.memory_space<vmem_shared>>) target(%dma_start3A_115 : memref<640x128xf32, #tpu.memory_space<hbm>>) target_semaphore(%run_scoped3A : memref<!tpu.dma_semaphore, #tpu.memory_space<semaphore_mem>>)
      %dma_wait3A = arith.constant 0 : i32
      %dma_wait3A_118 = tpu.memref_slice %arg7[%arg0, %mul3A_108, %dma_wait3A] : memref<2x10240x128xf32, #tpu.memory_space<hbm>> -> memref<1x640x128xf32, #tpu.memory_space<hbm>>
      %dma_wait3A_119 = tpu.memref_squeeze %dma_wait3A_118 : memref<1x640x128xf32, #tpu.memory_space<hbm>> -> memref<640x128xf32, #tpu.memory_space<hbm>>
      %dma_wait3A_120 = arith.constant 0 : i32
      %dma_wait3A_121 = tpu.memref_slice %arg16[%mul3A_106, %dma_wait3A_120] : memref<10240x128xf32, #tpu.memory_space<vmem_shared>> -> memref<640x128xf32, #tpu.memory_space<vmem_shared>>
      tpu.wait_dma2 semaphore(%run_scoped3A : memref<!tpu.dma_semaphore, #tpu.memory_space<semaphore_mem>>) src(%dma_wait3A_121 : memref<640x128xf32, #tpu.memory_space<vmem_shared>>) dst(%dma_wait3A_119 : memref<640x128xf32, #tpu.memory_space<hbm>>)
      tpu.yield
    }) : () -> ()
    %mul3A_109 = arith.constant 640 : i32
    %mul3A_110 = arith.muli %arg1, %mul3A_109 : i32
    %mul3A_111 = arith.constant 640 : i32
    %mul3A_112 = arith.muli %arg1, %mul3A_111 : i32
    "tpu.region"() ({
      %run_scoped3A = tpu.sem_alloc : memref<!tpu.dma_semaphore, #tpu.memory_space<semaphore_mem>>
      %dma_start3A_113 = arith.constant 0 : i32
      %dma_start3A_114 = tpu.memref_slice %arg8[%arg0, %mul3A_112, %dma_start3A_113] : memref<2x10240x16xf32, #tpu.memory_space<hbm>> -> memref<1x640x16xf32, #tpu.memory_space<hbm>>
      %dma_start3A_115 = tpu.memref_squeeze %dma_start3A_114 : memref<1x640x16xf32, #tpu.memory_space<hbm>> -> memref<640x16xf32, #tpu.memory_space<hbm>>
      %dma_start3A_116 = arith.constant 0 : i32
      %dma_start3A_117 = tpu.memref_slice %arg17[%mul3A_110, %dma_start3A_116] : memref<10240x16xf32, #tpu.memory_space<vmem_shared>> -> memref<640x16xf32, #tpu.memory_space<vmem_shared>>
      tpu.enqueue_dma source(%dma_start3A_117 : memref<640x16xf32, #tpu.memory_space<vmem_shared>>) target(%dma_start3A_115 : memref<640x16xf32, #tpu.memory_space<hbm>>) target_semaphore(%run_scoped3A : memref<!tpu.dma_semaphore, #tpu.memory_space<semaphore_mem>>)
      %dma_wait3A = arith.constant 0 : i32
      %dma_wait3A_118 = tpu.memref_slice %arg8[%arg0, %mul3A_112, %dma_wait3A] : memref<2x10240x16xf32, #tpu.memory_space<hbm>> -> memref<1x640x16xf32, #tpu.memory_space<hbm>>
      %dma_wait3A_119 = tpu.memref_squeeze %dma_wait3A_118 : memref<1x640x16xf32, #tpu.memory_space<hbm>> -> memref<640x16xf32, #tpu.memory_space<hbm>>
      %dma_wait3A_120 = arith.constant 0 : i32
      %dma_wait3A_121 = tpu.memref_slice %arg17[%mul3A_110, %dma_wait3A_120] : memref<10240x16xf32, #tpu.memory_space<vmem_shared>> -> memref<640x16xf32, #tpu.memory_space<vmem_shared>>
      tpu.wait_dma2 semaphore(%run_scoped3A : memref<!tpu.dma_semaphore, #tpu.memory_space<semaphore_mem>>) src(%dma_wait3A_121 : memref<640x16xf32, #tpu.memory_space<vmem_shared>>) dst(%dma_wait3A_119 : memref<640x16xf32, #tpu.memory_space<hbm>>)
      tpu.yield
    }) : () -> ()
    return
  }
}

module attributes {stable_mosaic.version = 14 : i64} {
  func.func @_tc_prep_body(%arg0: memref<10000x128xf32, #tpu.memory_space<vmem>>, %arg1: memref<128x128xf32, #tpu.memory_space<vmem>>, %arg2: memref<128x2xf32, #tpu.memory_space<vmem>>, %arg3: memref<2x32x10000xi32, #tpu.memory_space<vmem>>, %arg4: memref<10000x128xf32, #tpu.memory_space<vmem>>, %arg5: memref<10000x1xf32, #tpu.memory_space<vmem>>, %arg6: memref<10000x1xf32, #tpu.memory_space<vmem>>, %arg7: memref<32x1xi32, #tpu.memory_space<vmem>>) attributes {dimension_semantics = [], scalar_prefetch = 0 : i64, scratch_operands = 0 : i64, tpu.core_type = #tpu.core_type<tc>} {
    %get3A = arith.constant 0 : index
    %get3A_0 = arith.constant 0 : index
    %get3A_1 = vector.load %arg0[%get3A, %get3A_0] : memref<10000x128xf32, #tpu.memory_space<vmem>>, vector<10000x128xf32>
    %get3A_2 = arith.constant 0 : index
    %get3A_3 = arith.constant 0 : index
    %get3A_4 = vector.load %arg1[%get3A_2, %get3A_3] : memref<128x128xf32, #tpu.memory_space<vmem>>, vector<128x128xf32>
    %dot_general3A = arith.constant dense<0.000000e+00> : vector<10000x128xf32>
    %dot_general3A_5 = tpu.matmul %get3A_1, %get3A_4, %dot_general3A {dimension_numbers = #tpu.dot_dimension_numbers<[1], [1], [0], [0], [0, 0, 1, 0], [], []>, transpose_lhs_hint = false} : vector<10000x128xf32>, vector<128x128xf32>, vector<10000x128xf32> -> vector<10000x128xf32>
    %swap3A = arith.constant 0 : index
    %swap3A_6 = arith.constant 0 : index
    %swap3A_7 = vector.load %arg4[%swap3A, %swap3A_6] : memref<10000x128xf32, #tpu.memory_space<vmem>>, vector<10000x128xf32>
    tpu.vector_store %arg4[%swap3A, %swap3A_6], %dot_general3A_5 {strides = array<i32>} : memref<10000x128xf32, #tpu.memory_space<vmem>>, vector<10000x128xf32>,
    %get3A_8 = arith.constant 0 : index
    %get3A_9 = arith.constant 0 : index
    %get3A_10 = vector.load %arg2[%get3A_8, %get3A_9] : memref<128x2xf32, #tpu.memory_space<vmem>>, vector<128x2xf32>
    %dot_general3A_11 = arith.constant dense<0.000000e+00> : vector<10000x2xf32>
    %dot_general3A_12 = tpu.matmul %dot_general3A_5, %get3A_10, %dot_general3A_11 {dimension_numbers = #tpu.dot_dimension_numbers<[1], [0], [0], [1], [0, 0, 1, 1], [], []>, transpose_lhs_hint = false} : vector<10000x128xf32>, vector<128x2xf32>, vector<10000x2xf32> -> vector<10000x2xf32>
    %slice3A = vector.extract_strided_slice %dot_general3A_12 {offsets = [0, 0], sizes = [10000, 1], strides = [1, 1]} : vector<10000x2xf32> to vector<10000x1xf32>
    %swap3A_13 = arith.constant 0 : index
    %swap3A_14 = arith.constant 0 : index
    %swap3A_15 = vector.load %arg5[%swap3A_13, %swap3A_14] : memref<10000x1xf32, #tpu.memory_space<vmem>>, vector<10000x1xf32>
    tpu.vector_store %arg5[%swap3A_13, %swap3A_14], %slice3A {strides = array<i32>} : memref<10000x1xf32, #tpu.memory_space<vmem>>, vector<10000x1xf32>,
    %slice3A_16 = vector.extract_strided_slice %dot_general3A_12 {offsets = [0, 1], sizes = [10000, 1], strides = [1, 1]} : vector<10000x2xf32> to vector<10000x1xf32>
    %swap3A_17 = arith.constant 0 : index
    %swap3A_18 = arith.constant 0 : index
    %swap3A_19 = vector.load %arg6[%swap3A_17, %swap3A_18] : memref<10000x1xf32, #tpu.memory_space<vmem>>, vector<10000x1xf32>
    tpu.vector_store %arg6[%swap3A_17, %swap3A_18], %slice3A_16 {strides = array<i32>} : memref<10000x1xf32, #tpu.memory_space<vmem>>, vector<10000x1xf32>,
    %get3A_20 = arith.constant 0 : index
    %get3A_21 = arith.constant 0 : index
    %get3A_22 = arith.constant 0 : index
    %get3A_23 = vector.load %arg3[%get3A_20, %get3A_21, %get3A_22] : memref<2x32x10000xi32, #tpu.memory_space<vmem>>, vector<1x32x10000xi32>
    %get3A_24 = vector.shape_cast %get3A_23 : vector<1x32x10000xi32> to vector<32x10000xi32>
    %get3A_25 = arith.constant 1 : index
    %get3A_26 = arith.constant 0 : index
    %get3A_27 = arith.constant 0 : index
    %get3A_28 = vector.load %arg3[%get3A_25, %get3A_26, %get3A_27] : memref<2x32x10000xi32, #tpu.memory_space<vmem>>, vector<1x32x10000xi32>
    %get3A_29 = vector.shape_cast %get3A_28 : vector<1x32x10000xi32> to vector<32x10000xi32>
    %ne3A = arith.cmpi ne, %get3A_24, %get3A_29 : vector<32x10000xi32>
    %convert_element_type3A = arith.extui %ne3A : vector<32x10000xi1> to vector<32x10000xi32>
    %reduce_sum3A = arith.constant dense<0> : vector<32xi32>
    %reduce_sum3A_30 = vector.multi_reduction <add>, %convert_element_type3A, %reduce_sum3A [1] : vector<32x10000xi32> to vector<32xi32>
    %broadcast_in_dim3A = vector.shape_cast %reduce_sum3A_30 : vector<32xi32> to vector<32x1xi32>
    %swap3A_31 = arith.constant 0 : index
    %swap3A_32 = arith.constant 0 : index
    %swap3A_33 = vector.load %arg7[%swap3A_31, %swap3A_32] : memref<32x1xi32, #tpu.memory_space<vmem>>, vector<32x1xi32>
    tpu.vector_store %arg7[%swap3A_31, %swap3A_32], %broadcast_in_dim3A {strides = array<i32>} : memref<32x1xi32, #tpu.memory_space<vmem>>, vector<32x1xi32>,
    return
  }
}

module attributes {stable_mosaic.version = 14 : i64} {
  func.func @_tc_comb_body(%arg0: i32, %arg1: memref<2x2000x128xf32, #tpu.memory_space<vmem>>, %arg2: memref<2x2000x16xf32, #tpu.memory_space<vmem>>, %arg3: memref<2000x1xf32, #tpu.memory_space<vmem>>, %arg4: memref<2000x128xf32, #tpu.memory_space<vmem>>, %arg5: memref<1x128xf32, #tpu.memory_space<vmem>>, %arg6: memref<2000x128xf32, #tpu.memory_space<vmem>>) attributes {dimension_semantics = [#tpu.dimension_semantics<arbitrary>], iteration_bounds = array<i64: 5>, scalar_prefetch = 0 : i64, scratch_operands = 0 : i64, tpu.core_type = #tpu.core_type<tc>, window_params = [{transform_indices = @transform_0, window_bounds = array<i64: 2, 2000, 128>}, {transform_indices = @transform_1, window_bounds = array<i64: 2, 2000, 16>}, {transform_indices = @transform_2, window_bounds = array<i64: 2000, 1>}, {transform_indices = @transform_3, window_bounds = array<i64: 2000, 128>}, {pipeline_mode = #tpu.pipeline_mode<synchronous>, transform_indices = @transform_4, window_bounds = array<i64: 1, 128>}, {transform_indices = @transform_5, window_bounds = array<i64: 2000, 128>}]} {
    %get3A = arith.constant 0 : index
    %get3A_0 = arith.constant 0 : index
    %get3A_1 = vector.load %arg3[%get3A, %get3A_0] : memref<2000x1xf32, #tpu.memory_space<vmem>>, vector<2000x1xf32>
    %get3A_2 = arith.constant 0 : index
    %get3A_3 = arith.constant 0 : index
    %get3A_4 = arith.constant 0 : index
    %get3A_5 = vector.load %arg1[%get3A_2, %get3A_3, %get3A_4] : memref<2x2000x128xf32, #tpu.memory_space<vmem>>, vector<1x2000x128xf32>
    %get3A_6 = vector.shape_cast %get3A_5 : vector<1x2000x128xf32> to vector<2000x128xf32>
    %get3A_7 = arith.constant 1 : index
    %get3A_8 = arith.constant 0 : index
    %get3A_9 = arith.constant 0 : index
    %get3A_10 = vector.load %arg1[%get3A_7, %get3A_8, %get3A_9] : memref<2x2000x128xf32, #tpu.memory_space<vmem>>, vector<1x2000x128xf32>
    %get3A_11 = vector.shape_cast %get3A_10 : vector<1x2000x128xf32> to vector<2000x128xf32>
    %add3A = arith.addf %get3A_6, %get3A_11 : vector<2000x128xf32>
    %get3A_12 = arith.constant 0 : index
    %get3A_13 = arith.constant 0 : index
    %get3A_14 = vector.load %arg4[%get3A_12, %get3A_13] : memref<2000x128xf32, #tpu.memory_space<vmem>>, vector<2000x128xf32>
    %mul3A = vector.broadcast %get3A_1 : vector<2000x1xf32> to vector<2000x128xf32>
    %mul3A_15 = arith.mulf %mul3A, %get3A_14 : vector<2000x128xf32>
    %add3A_16 = arith.addf %add3A, %mul3A_15 : vector<2000x128xf32>
    %get3A_17 = arith.constant 0 : index
    %get3A_18 = arith.constant 0 : index
    %get3A_19 = arith.constant 0 : index
    %get3A_20 = vector.load %arg2[%get3A_17, %get3A_18, %get3A_19] : memref<2x2000x16xf32, #tpu.memory_space<vmem>>, vector<1x2000x1xf32>
    %get3A_21 = vector.shape_cast %get3A_20 : vector<1x2000x1xf32> to vector<2000x1xf32>
    %get3A_22 = arith.constant 1 : index
    %get3A_23 = arith.constant 0 : index
    %get3A_24 = arith.constant 0 : index
    %get3A_25 = vector.load %arg2[%get3A_22, %get3A_23, %get3A_24] : memref<2x2000x16xf32, #tpu.memory_space<vmem>>, vector<1x2000x1xf32>
    %get3A_26 = vector.shape_cast %get3A_25 : vector<1x2000x1xf32> to vector<2000x1xf32>
    %add3A_27 = arith.addf %get3A_21, %get3A_26 : vector<2000x1xf32>
    %add3A_28 = arith.addf %add3A_27, %get3A_1 : vector<2000x1xf32>
    %div3A = vector.broadcast %add3A_28 : vector<2000x1xf32> to vector<2000x128xf32>
    %div3A_29 = arith.divf %add3A_16, %div3A : vector<2000x128xf32>
    %get3A_30 = arith.constant 0 : index
    %get3A_31 = arith.constant 0 : index
    %get3A_32 = vector.load %arg5[%get3A_30, %get3A_31] : memref<1x128xf32, #tpu.memory_space<vmem>>, vector<1x128xf32>
    %add3A_33 = vector.broadcast %get3A_32 : vector<1x128xf32> to vector<2000x128xf32>
    %add3A_34 = arith.addf %div3A_29, %add3A_33 : vector<2000x128xf32>
    %swap3A = arith.constant 0 : index
    %swap3A_35 = arith.constant 0 : index
    %swap3A_36 = vector.load %arg6[%swap3A, %swap3A_35] : memref<2000x128xf32, #tpu.memory_space<vmem>>, vector<2000x128xf32>
    tpu.vector_store %arg6[%swap3A, %swap3A_35], %add3A_34 {strides = array<i32>} : memref<2000x128xf32, #tpu.memory_space<vmem>>, vector<2000x128xf32>,
    return
  }
  func.func @transform_0(%arg0: i32) -> (i32, i32, i32) {
    %c0_i32 = arith.constant 0 : i32
    %c0_i32_0 = arith.constant 0 : i32
    %c0_i32_1 = arith.constant 0 : i32
    return %c0_i32, %arg0, %c0_i32_0 : i32, i32, i32
  }
  func.func @transform_1(%arg0: i32) -> (i32, i32, i32) {
    %c0_i32 = arith.constant 0 : i32
    %c0_i32_0 = arith.constant 0 : i32
    %c0_i32_1 = arith.constant 0 : i32
    return %c0_i32, %arg0, %c0_i32_0 : i32, i32, i32
  }
  func.func @transform_2(%arg0: i32) -> (i32, i32) {
    %c0_i32 = arith.constant 0 : i32
    %c0_i32_0 = arith.constant 0 : i32
    return %arg0, %c0_i32 : i32, i32
  }
  func.func @transform_3(%arg0: i32) -> (i32, i32) {
    %c0_i32 = arith.constant 0 : i32
    %c0_i32_0 = arith.constant 0 : i32
    return %arg0, %c0_i32 : i32, i32
  }
  func.func @transform_4(%arg0: i32) -> (i32, i32) {
    %c0_i32 = arith.constant 0 : i32
    %c0_i32_0 = arith.constant 0 : i32
    %c0_i32_1 = arith.constant 0 : i32
    return %c0_i32, %c0_i32_0 : i32, i32
  }
  func.func @transform_5(%arg0: i32) -> (i32, i32) {
    %c0_i32 = arith.constant 0 : i32
    %c0_i32_0 = arith.constant 0 : i32
    return %arg0, %c0_i32 : i32, i32
  }
}

</mosaic_0001>

<sc_bundles>
// kernel: kernel.6.cloned.1.call-start
scs
__scs_entry_jumppad:
0x0: {  	(pc) =	sbr.rel $0x88, $3  }
0x1: {  	(tag) =	ssettag $0x0;
	lr =	simm.s32 $0x1  }
0x2: {  	[smem:$0x3F9B] =	sst lr;
	_ =	strace $0xD0000000  }
0x3: {  	_ = 	snop  }
0x4: {  	_ = 	snop  }
0x5: {  	_ = 	snop  }
0x6: {  	_ = 	snop  }
0x7: {  	_ = 	snop  }
__scs_overlays_trampoline_lowered:
0x8: {  	[smem:$0x3FAA] =	sst s0  }
0x9: {  	[smem:$0x3FAB] =	sst s1  }
0xa: {  	[smem:$0x3FAC] =	sst s2  }
0xb: {  	[smem:$0x3FAD] =	sst s3  }
0xc: {  	[smem:$0x3FAE] =	sst s4  }
0xd: {  	[smem:$0x3FAF] =	sst s5  }
0xe: {  	[smem:$0x3FB0] =	sst s6  }
0xf: {  	[smem:$0x3FB1] =	sst s7  }
0x10: {  	[smem:$0x3FB2] =	sst s8  }
0x11: {  	[smem:$0x3FB3] =	sst s9;
	s0 =	simm.s32 @!p0 $0x0  }
0x12: {  	s1 =	sld [smem:$0x3F99];
	s0 =	simm.s32 @p0 $0x1  }
0x13: {  	[smem:$0x3FB4] =	sst s0;
	s0 =	simm.s32 @!p1 $0x0  }
0x14: {  	s2 =	sld [smem:$0x3F98];
	s0 =	simm.s32 @p1 $0x1  }
0x15: {  	[smem:$0x3FB5] =	sst s0;
	s0 =	simm.s32 @!p2 $0x0  }
0x16: {  	s3 =	sld [smem:$0x3FDB];
	s0 =	simm.s32 @p2 $0x1  }
0x17: {  	s4 =	simm.s32 $0x1BF5;
	[smem:$0x3FB7] =	sst s0  }
0x18: {  	s0 =	sld [smem:$0x3F9A];
	_ =	swait.ge [sflag:s4], $0x0  }
0x19: {  	s7 =	sld [smem:$0x3F9B]  }
0x1a: {  	s8 =	sadd.s32 $0xFFFFE003, lr  }
0x1b: {  	s9 =	sadd.s32 $0xFFFFFEF7, lr;
	s5 =	simm.s32 $0xFFFFFFFF;
	p2 =	slt.u32 s8, $0xFFFFF086  }
0x1c: {  	p1 =	slt.u32 s9, $0xF7A;
	s5 =	simm.s32 @!p2 $0x0  }
0x1d: {  	s5 =	simm.s32 @p1 $0x1;
	p0 =	seq.s32 s7, s2  }
0x1e: {  	s7 =	smul.u32 @!p0 $0xF7A, s2;
	p2 =	seq.s32 @!p0 s5, $0x0  }
0x1f: {  	s9 =	smul.u32 $0xF7A, s1;
	s8 =	simm.s32 @!p0 $0x1BF5;
	p2 =	por !p2, p0  }
0x20: {  	[sflag:s8] =	ssyncset.s32 @!p0 $0xFFFFF086;
	s6 =	sadd.s32 @!p0 s3, s7;
	s7 =	simm.s32 @!p0 $0x108  }
0x21: {  	s3 =	sadd.s32 s3, s9;
	s6 =	sadd.s32 @!p0 $0x88, s6;
	s7 =	simm.s32 @p2 $0x1082  }
0x22: {  	[simem:s7], [sflag:s8] =	dma.local @!p0 [hbm:s6], $0xF7A  }
0x23: {  	s9 =	sor.u32 $0xD0000000, s2;
	s6 =	simm.s32 $0x108;
	_ =	swait.ge @!p0 [sflag:s8], $0x0  }
0x24: {  	s3 =	sadd.s32 $0x88, s3;
	s6 =	simm.s32 @!p1 $0x1082;
	[sflag:s4] =	ssyncset.s32 $0xFFFFF086  }
0x25: {  	[simem:s6], [sflag:s4] =	dma.local [hbm:s3], $0xF7A  }
0x26: {  	[smem:$0x3F9B] =	sst s1;
	(tag) =	ssettag s2;
	_ =	strace s9  }
0x27: {  	s1 =	sld [smem:$0x3FAB]  }
0x28: {  	s2 =	sld [smem:$0x3FAC]  }
0x29: {  	s4 =	sld [smem:$0x3FAE]  }
0x2a: {  	p0 =	seq.s32 s5, $0x0;
	s5 =	sld [smem:$0x3FAF]  }
0x2b: {  	s6 =	sld [smem:$0x3FB0]  }
0x2c: {  	s7 =	sld [smem:$0x3FB1]  }
0x2d: {  	s3 =	simm.s32 $0x108;
	s8 =	sld [smem:$0x3FB2]  }
0x2e: {  	s3 =	simm.s32 @!p0 $0x1082;
	s9 =	sld [smem:$0x3FB3]  }
0x2f: {  	lr =	sadd.s32 s0, s3;
	s0 =	sld [smem:$0x3FAA]  }
0x30: {  	s3 =	sld [smem:$0x3FAD]  }
0x31: {  	[smem:$0x3FB6] =	sst s10  }
0x32: {  	s10 =	sld [smem:$0x3FB4];
	_ =	sdelay $0x3  }
0x33: {  	p0 =	seq.s32 s10, $0x1;
	s10 =	sld [smem:$0x3FB6];
	_ =	sdelay $0x3  }
0x34: {  	[smem:$0x3FB6] =	sst s10  }
0x35: {  	s10 =	sld [smem:$0x3FB5];
	_ =	sdelay $0x3  }
0x36: {  	p1 =	seq.s32 s10, $0x1;
	s10 =	sld [smem:$0x3FB6];
	_ =	sdelay $0x3  }
0x37: {  	[smem:$0x3FB6] =	sst s10  }
0x38: {  	s10 =	sld [smem:$0x3FB7]  }
0x39: {  	_ = 	snop;
	(pc) =	sbr.ind lr, $3  }
0x3a: {  	_ = 	snop  }
0x3b: {  	_ = 	snop  }
0x3c: {  	p2 =	seq.s32 s10, $0x1;
	s10 =	sld [smem:$0x3FB6]  }
0x3d: {  	_ =	shalt  }
0x3e: {  	_ =	shalt  }
0x3f: {  	_ =	shalt  }
0x40: {  	_ =	shalt  }
0x41: {  	_ =	shalt  }
0x42: {  	_ =	shalt  }
0x43: {  	_ =	shalt  }
0x44: {  	_ =	shalt  }
0x45: {  	_ =	shalt  }
0x46: {  	_ =	shalt  }
0x47: {  	_ =	shalt  }
0x48: {  	_ =	shalt  }
0x49: {  	_ =	shalt  }
0x4a: {  	_ =	shalt  }
0x4b: {  	_ =	shalt  }
0x4c: {  	_ =	shalt  }
0x4d: {  	_ =	shalt  }
0x4e: {  	_ =	shalt  }
0x4f: {  	_ =	shalt  }
0x50: {  	_ =	shalt  }
0x51: {  	_ =	shalt  }
0x52: {  	_ =	shalt  }
0x53: {  	_ =	shalt  }
0x54: {  	_ =	shalt  }
0x55: {  	_ =	shalt  }
0x56: {  	_ =	shalt  }
0x57: {  	_ =	shalt  }
0x58: {  	_ =	shalt  }
0x59: {  	_ =	shalt  }
0x5a: {  	_ =	shalt  }
0x5b: {  	_ =	shalt  }
0x5c: {  	_ =	shalt  }
0x5d: {  	_ =	shalt  }
0x5e: {  	_ =	shalt  }
0x5f: {  	_ =	shalt  }
0x60: {  	_ =	shalt  }
0x61: {  	_ =	shalt  }
0x62: {  	_ =	shalt  }
0x63: {  	_ =	shalt  }
0x64: {  	_ =	shalt  }
0x65: {  	_ =	shalt  }
0x66: {  	_ =	shalt  }
0x67: {  	_ =	shalt  }
0x68: {  	_ =	shalt  }
0x69: {  	_ =	shalt  }
0x6a: {  	_ =	shalt  }
0x6b: {  	_ =	shalt  }
0x6c: {  	_ =	shalt  }
0x6d: {  	_ =	shalt  }
0x6e: {  	_ =	shalt  }
0x6f: {  	_ =	shalt  }
0x70: {  	_ =	shalt  }
0x71: {  	_ =	shalt  }
0x72: {  	_ =	shalt  }
0x73: {  	_ =	shalt  }
0x74: {  	_ =	shalt  }
0x75: {  	_ =	shalt  }
0x76: {  	_ =	shalt  }
0x77: {  	_ =	shalt  }
0x78: {  	_ =	shalt  }
0x79: {  	_ =	shalt  }
0x7a: {  	_ =	shalt  }
0x7b: {  	_ =	shalt  }
0x7c: {  	_ =	shalt  }
0x7d: {  	_ =	shalt  }
0x7e: {  	_ =	shalt  }
0x7f: {  	_ =	shalt  }
0x80: {  	_ =	shalt  }
0x81: {  	_ =	shalt  }
0x82: {  	_ =	shalt  }
0x83: {  	_ =	shalt  }
0x84: {  	_ =	shalt  }
0x85: {  	_ =	shalt  }
0x86: {  	_ =	shalt  }
0x87: {  	_ =	shalt  }
.Lfunc_end0:
.L_simem_size_0:
called_computation_lowered:
.L_overlay_start_0:
0x88: {  	s2 =	sld [smem:$0x3FD9]  }
0x89: {  	s3 =	sld [smem:$0x3FFE];
	_ =	sdelay $0x1  }
0x8a: {  	s1 =	srdreg.scid  }
0x8b: {  	s0 =	sand.u32 $0x1, s1  }
0x8c: {  	s16 =	sshll.u32 s0, $0xA;
	s2 =	sadd.s32 s3, s2  }
0x8d: {  	s2 =	sadd.s32 s2, s16  }
0x8e: {  	[smem:$0x3FC2] =	sst s2  }
0x8f: {  	_ = 	snop  }
0x90: {  	(tm) =	ssettm $0x1  }
0x91: {  	s17 =	sld [smem:$0x3FFB];
	_ =	sdelay $0x3  }
0x92: {  	_ =	strace s17  }
0x93: {  	s2 =	sld [smem:$0x3FFC];
	_ =	sdelay $0x3  }
0x94: {  	_ =	strace s2  }
0x95: {  	s2 =	sld [smem:$0x3FFD];
	_ =	sdelay $0x3  }
0x96: {  	_ =	strace s2  }
0x97: {  	_ =	strace $0x8FFFFFFF  }
0x98: {  	s18 =	sld [smem:$0x3FDB];
	_ =	sdelay $0x1  }
0x99: {  	s19 =	simm.s32 $_scs_section_size  }
0x9a: {  	s4 =	simm.s32 $_size__tile_overlayer_lowered;
	s5 =	simm.s32 $_tile_overlayer_lowered  }
0x9b: {  	s22 =	simm.s32 $0x1BFF;
	s21 =	sshll.u32 s5, $0x1;
	s2 =	sadd.s32 s19, s18  }
0x9c: {  	s6 =	simm.s32 $0x0;
	s20 =	sshll.u32 s4, $0x1;
	s4 =	sadd.s32 s21, s2  }
0x9d: {  	[timem:s6], [sflag:s22] =	dma.local [hbm:s4], s20  }
0x9e: {  	_ =	swait.ge [sflag:s22], s20  }
0x9f: {  	s3 =	ssub.s32 $0x0, s20;
	[sflag:s22] =	ssyncset.done $0x0  }
0xa0: {  	[sflag:s22] =	ssyncadd.s32 s3;
	_ =	sdelay $0x1  }
0xa1: {  	s23 =	simm.s32 $0x1B8B  }
0xa2: {  	_ =	swait.ge [sflag:s23], $0x1  }
0xa3: {  	[sflag:s23] =	ssyncset.done $0x0  }
0xa4: {  	s25 =	simm.s32 $0x1B8E;
	s24 =	sld [smem:$0x3FFE];
	[sflag:s23] =	ssyncadd.s32 $0xFFFFFFFF  }
0xa5: {  	s26 =	simm.s32 $execute0_lowered;
	[smem:$0x3FD2] =	sst s25  }
0xa6: {  	s4 =	sshll.u32 s26, $0x1;
	_ =	strace $0x80000046;
	[dreg:$0x1] =	wrdreg $0xFFFFFFFF  }
0xa7: {  	s28 =	simm.s32 $_size_execute0_lowered;
	s2 =	sadd.s32 s2, s4;
	[dreg:$0x0] =	wrdreg $0x0  }
0xa8: {  	s4 =	sshll.u32 s28, $0x1;
	[dreg:$0x2] =	wrdreg s2  }
0xa9: {  	[dreg:$0x3] =	wrdreg s4  }
0xaa: {  	[dreg:$0x4] =	wrdreg $0xC0  }
0xab: {  	_ =	task [dreg:s6], $0x5FFFF  }
0xac: {  	[dreg:$0x1] =	wrdreg $0xFFFFFFFF  }
0xad: {  	[dreg:$0x0] =	wrdreg $0x60  }
0xae: {  	[dreg:$0x2] =	wrdreg s24  }
0xaf: {  	[dreg:$0x3] =	wrdreg $0x9  }
0xb0: {  	_ =	task.clear_ibuf [dreg:s6], $0x4FFFF;
	_ =	strace $0x90000046  }
0xb1: {  	s29 =	simm.s32 $0x9;
	_ =	strace $0x80000048  }
0xb2: {  	_ =	swait.ge [sflag:s29], $0x1  }
0xb3: {  	[sflag:s29] =	ssyncadd.s32 $0xFFFFFFFF  }
0xb4: {  	_ =	strace $0x90000048  }
0xb5: {  	_ =	sfence  }
0xb6: {  	s30 =	sld [smem:$0x0];
	_ =	sdelay $0x2  }
0xb7: {  	s31 =	sshll.u32 s1, $0xD;
	s1 =	sshrl.u32 s1, $0x2  }
0xb8: {  	s3 =	sand.u32 $0x4000, s31;
	s1 =	sadd.s32 s1, s30  }
0xb9: {  	s0 =	sor.u32 s3, s0;
	s1 =	sshll.u32 s1, $0x11  }
0xba: {  	s0 =	sor.u32 s1, s0  }
0xbb: {  	s0 =	sadd.s32 $0x8F2B, s0  }
0xbc: {  	[sflag:s0] =	ssyncadd.remote.s32 $0x1  }
0xbd: {  	_ =	sfence.sel $0xFFFF  }
0xbe: {  	[dreg:$0x0] =	wrdreg $0xFFFFFFFF;
	(pc) =	sbr.abs _section_cstart, $3  }
0xbf: {  	[dreg:$0x1] =	wrdreg $0xFFFFFFFF  }
0xc0: {  	_ =	task.clear_ibuf [dreg:s6], $0x2FFFF;
	_ =	strace $0x9FFFFFFF  }
0xc1: {  	(tm) =	ssettm $0x7FFFFFFF  }
tec
execute0_lowered:
.L_overlay_start_1:
0x0: {  	(tag) =	ssettag $0x1  }
0x1: {  	s0 =	srdreg.scid  }
0x2: {  	s1 =	stileid.u32;
	s8 =	sand.u32 $0x1, s0  }
0x3: {  	s3 =	sor.u32 s1, s8  }
0x4: {  	p0 =	sne.s32 s3, $0x0  }
.Ltmp0:
0x5: {  	_ = 	snop;
	(pc) =	sbr.rel @p0 .LBB2_11-.Ltmp0, $4  }
0x6: {  	_ = 	snop  }
0x7: {  	s10 =	rddreg [dreg:$0x0];
	s2 =	simm.s32 $0x0  }
0x8: {  	[smem:$0x7FF] =	sst s2  }
0x9: {  	s0 =	rddreg [dreg:$0x1];
	_ =	strace $0x80000047  }
0xa: {  	s3 =	sadd.s32 $0xAE00, s10;
	s4 =	sadd.s32 $0x1000, s10;
	s5 =	sadd.s32 $0x14C00, s10  }
0xb: {  	s6 =	sadd.s32 $0x15200, s10;
	s7 =	sadd.s32 $0x15800, s10;
	s11 =	ssub.s32 $0x2, s8  }
0xc: {  	s8 =	sadd.s32 $0x16000, s10;
	s9 =	sadd.s32 $0x16600, s10;
	s10 =	sadd.s32 $0x15A00, s10  }
0xd: {  	s14 =	simm.s32 $0x1;
	s15 =	simm.s32 $0xCBE0;
	s16 =	simm.s32 $0xF3E0  }
0xe: {  	s17 =	simm.s32 $0x7D20;
	s18 =	simm.s32 $0x7D70;
	s19 =	simm.s32 $0x7DC0  }
0xf: {  	s20 =	simm.s32 $0xA4D0;
	s21 =	simm.s32 $0x11BE0;
	s22 =	simm.s32 $0x143E0  }
0x10: {  	s23 =	simm.s32 $0x16BE0;
	s24 =	simm.s32 $0x0;
	s12 =	sshrl.u32 s11, $0x1  }
0x11: {  	v0 =	vlaneseq.u32;
	v1 =	vimm.s32 $0x0;
	s13 =	sadd.s32 $0x7D0, s4;
	s11 =	ssub.s32 s11, s12;
	s12 =	sadd.s32 $0x7D0, s3  }
.LBB2_2:
0x12: {  	s25 =	simm.s32 $0x0  }
0x13: {  	[tilespmem:s25], [sflag:$0x1] =	stream.linear.gather [hbm4b:s7+s25], $0x20, $0x38;
	[tilespmem:$0x193E0] =	vst v63  }
0x14: {  	_ =	swait.ge [sflag:s14], $0x20  }
0x15: {  	[sflag:s14] =	ssyncset.done $0x0  }
0x16: {  	[sflag:s14] =	ssyncadd.s32 $0xFFFFFFE0  }
0x17: {  	v2 =	vld [tilespmem:$0x0]  }
0x18: {  	v3 =	vld [tilespmem:$0x10];
	_ =	sdelay $0x3  }
0x19: {  	(xrf0) =	vadd.scan.msk.s32 $0xffff, v2  }
0x1a: {  	(xrf0) =	vadd.scan.msk.s32 $0xffff, v3;
	_ =	sdelay $0x4  }
0x1b: {  	v2, _, _ =	vpop (xrf0)  }
0x1c: {  	(v2sf) =	vpush v2, $0xF;
	v2, _, _ =	vpop (xrf0)  }
0x1d: {  	(v2sf) =	vpush v2, $0xF;
	_ =	sdelay $0xd  }
0x1e: {  	s26 =	spop (v2sf)  }
0x1f: {  	s28 =	spop (v2sf)  }
0x20: {  	s26 =	sadd.s32 s26, s28  }
0x21: {  	v3 =	vor.u32 s25, v0;
	v2 =	vmov s26  }
0x22: {  	v3 =	vsub.s32 v3, v2  }
0x23: {  	[tilespmem:s15+$0x0] =	vst v3  }
0x24: {  	s25 =	simm.s32 $0x10;
	s28 =	simm.s32 $0xF3E0;
	s26 =	simm.s32 $0xCBE0;
	[tilespmem:s16+$0x0] =	vst v3  }
.LBB2_3:
0x25: {  	p0 =	sne.s32 s25, $0x27F0  }
.Ltmp1:
0x26: {  	_ = 	snop;
	(pc) =	sbr.rel @p0 .LBB2_3-.Ltmp1, $4  }
0x27: {  	v3 =	vor.u32 s25, v0  }
0x28: {  	s26 =	sadd.s32 $0x10, s26;
	v3 =	vsub.s32 v3, v2  }
0x29: {  	s28 =	sadd.s32 $0x10, s28;
	[tilespmem:s26+$0x0] =	vst v3  }
0x2a: {  	s25 =	sadd.s32 $0x10, s25;
	[tilespmem:s28+$0x0] =	vst v3  }
0x2b: {  	s28 =	simm.s32 $0x0;
	s25 =	simm.s32 $0x20  }
0x2c: {  	[tilespmem:s25], [sflag:$0x1] =	stream.linear.gather [hbm4b:s3+s28], $0x3E80, $0x38;
	[tilespmem:$0x193E0] =	vst v63  }
0x2d: {  	_ =	swait.ge [sflag:s14], $0x3E80  }
0x2e: {  	[sflag:s14] =	ssyncset.done $0x0  }
0x2f: {  	s26 =	simm.s32 $0x3EA0;
	[sflag:s14] =	ssyncadd.s32 $0xFFFFC180  }
0x30: {  	[tilespmem:s26], [sflag:$0x1] =	stream.linear.gather [hbm4b:s4+s28], $0x3E80, $0x38;
	[tilespmem:$0x193E0] =	vst v63  }
0x31: {  	_ =	swait.ge [sflag:s14], $0x3E80  }
0x32: {  	[sflag:s14] =	ssyncset.done $0x0  }
0x33: {  	s29 =	simm.s32 $0x0;
	[sflag:s14] =	ssyncadd.s32 $0xFFFFC180  }
.LBB2_5:
0x34: {  	v2 =	vld [tilespmem:s25+$0x0]  }
0x35: {  	v3 =	vld [tilespmem:s26+$0x0];
	_ =	sdelay $0x4  }
0x36: {  	vm0 =	vne.s32 v2, v3  }
0x37: {  	v4 =	vsel vm0, $0x1, v1  }
0x38: {  	(xrf0) =	vadd.scan.msk.s32 $0xffff, v4;
	_ =	sdelay $0x5  }
0x39: {  	v4, _, _ =	vpop (xrf0)  }
0x3a: {  	(v2sf) =	vpush v4, $0xF;
	_ =	sdelay $0xc  }
0x3b: {  	s30 =	sadd.s32 $0xFFFFFFFF, s29  }
0x3c: {  	v4 =	vadd.s32 s30, v4  }
0x3d: {  	vm1 =	vlt.s32 v4, $0x2710;
	s31 =	spop (v2sf)  }
0x3e: {  	p0 =	sgt.u32 s28, $0x3E6;
	vm0 =	vmand vm0, vm1;
	s29 =	sadd.s32 s29, s31  }
0x3f: {  	p1 =	slt.s32 @!p0 s29, $0x2710  }
0x40: {  	p0 =	por p0, !p1  }
.Ltmp2:
0x41: {  	_ = 	snop;
	(pc) =	sbr.rel @!p0 .LBB2_5-.Ltmp2, $3  }
0x42: {  	_ =	sdelay $0x1  }
0x43: {  	[tilespmem:v4+s15+$0x0] =	vst.idx.msk vm0, v2  }
0x44: {  	s28 =	sadd.s32 $0x1, s28;
	s25 =	sadd.s32 $0x10, s25;
	s26 =	sadd.s32 $0x10, s26;
	[tilespmem:v4+s16+$0x0] =	vst.idx.msk vm0, v3  }
0x45: {  	p0 =	slt.s32 s29, $0x2710  }
.Ltmp3:
0x46: {  	_ = 	snop;
	(pc) =	sbr.rel @!p0 .LBB2_8-.Ltmp3, $2  }
0x47: {  	_ =	sdelay $0x2  }
0x48: {  	s28 =	simm.s32 $0xC8;
	s25 =	smov.u32 s13;
	s26 =	smov.u32 s12  }
.LBB2_7:
0x49: {  	[tilespmem:s17], [sflag:$0x1] =	stream.linear.gather [hbm4b:s26+s2], $0x50, $0x38;
	[tilespmem:$0x193E0] =	vst v63  }
0x4a: {  	_ =	swait.ge [sflag:s14], $0x50  }
0x4b: {  	[sflag:s14] =	ssyncset.done $0x0  }
0x4c: {  	[sflag:s14] =	ssyncadd.s32 $0xFFFFFFB0  }
0x4d: {  	[tilespmem:s18], [sflag:$0x1] =	stream.linear.gather [hbm4b:s25+s2], $0x50, $0x38;
	[tilespmem:$0x193E0] =	vst v63  }
0x4e: {  	_ =	swait.ge [sflag:s14], $0x50  }
0x4f: {  	[sflag:s14] =	ssyncset.done $0x0  }
0x50: {  	[sflag:s14] =	ssyncadd.s32 $0xFFFFFFB0  }
0x51: {  	v2 =	vld [tilespmem:$0x7D20]  }
0x52: {  	v3 =	vld [tilespmem:$0x7D70];
	_ =	sdelay $0x4  }
0x53: {  	vm0 =	vne.s32 v2, v3  }
0x54: {  	v4 =	vsel vm0, $0x1, v1  }
0x55: {  	(xrf0) =	vadd.scan.msk.s32 $0xffff, v4;
	_ =	sdelay $0x5  }
0x56: {  	s30 =	sadd.s32 $0xFFFFFFFF, s29;
	v4, _, _ =	vpop (xrf0)  }
0x57: {  	v5 =	vadd.s32 s30, v4  }
0x58: {  	vm1 =	vlt.s32 v5, $0x2710  }
0x59: {  	vm0 =	vmand vm0, vm1;
	_ =	sdelay $0x4  }
0x5a: {  	(v2sf) =	vpush v4, $0xF  }
0x5b: {  	[tilespmem:v5+s15+$0x0] =	vst.idx.msk vm0, v2  }
0x5c: {  	[tilespmem:v5+s16+$0x0] =	vst.idx.msk vm0, v3  }
0x5d: {  	v2 =	vld [tilespmem:$0x7D30]  }
0x5e: {  	v3 =	vld [tilespmem:$0x7D80];
	_ =	sdelay $0x4  }
0x5f: {  	vm8 =	vne.s32 v2, v3  }
0x60: {  	v57 =	vsel vm8, $0x1, v1  }
0x61: {  	(xrf0) =	vadd.scan.msk.s32 $0xffff, v57;
	_ =	sdelay $0x3  }
0x62: {  	s31 =	spop (v2sf)  }
0x63: {  	s29 =	sadd.s32 s29, s31  }
0x64: {  	s30 =	sadd.s32 $0xFFFFFFFF, s29;
	v4, _, _ =	vpop (xrf0)  }
0x65: {  	v58 =	vadd.s32 s30, v4  }
0x66: {  	vm9 =	vlt.s32 v58, $0x2710  }
0x67: {  	vm0 =	vmand vm8, vm9;
	_ =	sdelay $0x4  }
0x68: {  	(v2sf) =	vpush v4, $0xF  }
0x69: {  	[tilespmem:v58+s15+$0x0] =	vst.idx.msk vm0, v2  }
0x6a: {  	[tilespmem:v58+s16+$0x0] =	vst.idx.msk vm0, v3  }
0x6b: {  	v2 =	vld [tilespmem:$0x7D40]  }
0x6c: {  	v3 =	vld [tilespmem:$0x7D90];
	_ =	sdelay $0x4  }
0x6d: {  	vm10 =	vne.s32 v2, v3  }
0x6e: {  	v59 =	vsel vm10, $0x1, v1  }
0x6f: {  	(xrf0) =	vadd.scan.msk.s32 $0xffff, v59;
	_ =	sdelay $0x3  }
0x70: {  	s31 =	spop (v2sf)  }
0x71: {  	s29 =	sadd.s32 s29, s31  }
0x72: {  	s30 =	sadd.s32 $0xFFFFFFFF, s29;
	v4, _, _ =	vpop (xrf0)  }
0x73: {  	v60 =	vadd.s32 s30, v4  }
0x74: {  	vm11 =	vlt.s32 v60, $0x2710  }
0x75: {  	vm0 =	vmand vm10, vm11;
	_ =	sdelay $0x4  }
0x76: {  	(v2sf) =	vpush v4, $0xF  }
0x77: {  	[tilespmem:v60+s15+$0x0] =	vst.idx.msk vm0, v2  }
0x78: {  	[tilespmem:v60+s16+$0x0] =	vst.idx.msk vm0, v3  }
0x79: {  	v2 =	vld [tilespmem:$0x7D50]  }
0x7a: {  	v3 =	vld [tilespmem:$0x7DA0];
	_ =	sdelay $0x4  }
0x7b: {  	vm12 =	vne.s32 v2, v3  }
0x7c: {  	v61 =	vsel vm12, $0x1, v1  }
0x7d: {  	(xrf0) =	vadd.scan.msk.s32 $0xffff, v61;
	_ =	sdelay $0x3  }
0x7e: {  	s31 =	spop (v2sf)  }
0x7f: {  	s29 =	sadd.s32 s29, s31  }
0x80: {  	s30 =	sadd.s32 $0xFFFFFFFF, s29;
	v4, _, _ =	vpop (xrf0)  }
0x81: {  	v62 =	vadd.s32 s30, v4  }
0x82: {  	vm13 =	vlt.s32 v62, $0x2710  }
0x83: {  	vm0 =	vmand vm12, vm13;
	_ =	sdelay $0x5  }
0x84: {  	[tilespmem:v62+s15+$0x0] =	vst.idx.msk vm0, v2  }
0x85: {  	[tilespmem:v62+s16+$0x0] =	vst.idx.msk vm0, v3  }
0x86: {  	v2 =	vld [tilespmem:$0x7D60]  }
0x87: {  	v3 =	vld [tilespmem:$0x7DB0];
	_ =	sdelay $0x4  }
0x88: {  	vm14 =	vne.s32 v2, v3  }
0x89: {  	v63 =	vsel vm14, $0x1, v1  }
0x8a: {  	(xrf0) =	vadd.scan.msk.s32 $0xffff, v63;
	_ =	sdelay $0x2  }
0x8b: {  	(v2sf) =	vpush v4, $0xF;
	_ =	sdelay $0x2  }
0x8c: {  	v4, _, _ =	vpop (xrf0)  }
0x8d: {  	(v2sf) =	vpush v4, $0xF;
	_ =	sdelay $0xa  }
0x8e: {  	s31 =	spop (v2sf)  }
0x8f: {  	s29 =	sadd.s32 s29, s31  }
0x90: {  	s30 =	sadd.s32 $0xFFFFFFFF, s29  }
0x91: {  	v4 =	vadd.s32 s30, v4  }
0x92: {  	vm15 =	vlt.s32 v4, $0x2710;
	s31 =	spop (v2sf)  }
0x93: {  	p0 =	sgt.u32 s28, $0xF9E;
	vm0 =	vmand vm14, vm15;
	s29 =	sadd.s32 s29, s31  }
0x94: {  	p1 =	slt.s32 @!p0 s29, $0x2710  }
0x95: {  	p0 =	por p0, !p1  }
.Ltmp4:
0x96: {  	_ = 	snop;
	(pc) =	sbr.rel @!p0 .LBB2_7-.Ltmp4, $3  }
0x97: {  	_ =	sdelay $0x1  }
0x98: {  	[tilespmem:v4+s15+$0x0] =	vst.idx.msk vm0, v2  }
0x99: {  	s28 =	sadd.s32 $0x1, s28;
	s26 =	sadd.s32 $0xA, s26;
	s25 =	sadd.s32 $0xA, s25;
	[tilespmem:v4+s16+$0x0] =	vst.idx.msk vm0, v3  }
.LBB2_8:
0x9a: {  	s25 =	simm.s32 $0x0  }
0x9b: {  	[tilespmem:s19], [sflag:$0x1] =	stream.linear.gather [hbm4b:s5+s25], $0x2710, $0x38;
	[tilespmem:$0x193E0] =	vst v63  }
0x9c: {  	_ =	swait.ge [sflag:s14], $0x2710  }
0x9d: {  	[sflag:s14] =	ssyncset.done $0x0  }
0x9e: {  	[sflag:s14] =	ssyncadd.s32 $0xFFFFD8F0  }
0x9f: {  	[tilespmem:s20], [sflag:$0x1] =	stream.linear.gather [hbm4b:s6+s25], $0x2710, $0x38;
	[tilespmem:$0x193E0] =	vst v63  }
0xa0: {  	_ =	swait.ge [sflag:s14], $0x2710  }
0xa1: {  	[sflag:s14] =	ssyncset.done $0x0  }
0xa2: {  	s25 =	simm.s32 $0x0;
	[sflag:s14] =	ssyncadd.s32 $0xFFFFD8F0  }
0xa3: {  	v2 =	vld [tilespmem:s25+$0xCBE0]  }
0xa4: {  	v3 =	vld [tilespmem:s25+$0xF3E0];
	_ =	sdelay $0x3  }
0xa5: {  	vm0 =	vgt.s32 v2, $0x0  }
0xa6: {  	vm15 =	vgt.s32 v3, $0x0;
	v2 =	vnsel vm0, $0x0, v2  }
0xa7: {  	v3 =	vnsel vm15, $0x0, v3;
	v2 =	vmin.u32 v2, $0x270F  }
0xa8: {  	v3 =	vmin.u32 v3, $0x270F;
	_ =	sdelay $0x3  }
0xa9: {  	v2 =	vld.idx.msk [tilespmem:v2+s19+$0x0], $0xffff  }
0xaa: {  	v3 =	vld.idx.msk [tilespmem:v3+s20+$0x0], $0xffff;
	_ =	sdelay $0x4  }
0xab: {  	v4 =	vadd.f32 v3, v2;
	_ =	sdelay $0x1  }
0xac: {  	v5 =	vmul.f32 $2.000000030e-01, v4;
	_ =	sdelay $0x1  }
0xad: {  	[tilespmem:s25+$0x11BE0] =	vst v2;
	v2 =	vmax.f32 v4, v5  }
0xae: {  	s26 =	simm.s32 $0x10;
	[tilespmem:s25+$0x143E0] =	vst v3;
	v3 =	vmul.f32 $1.442695020e+00, v2  }
0xaf: {  	s28 =	simm.s32 $0x80;
	v2 =	vld [tilespmem:s26+$0xCBE0]  }
.LBB2_9:
0xb0: {  	p0 =	sne.s32 s28, $0x9FC0;
	v4 =	vld [tilespmem:s26+$0xF3E0];
	(erf) = vpow2.f32 v3;
	_ =	sdelay $0x3  }
0xb1: {  	vm0 =	vgt.s32 v2, $0x0  }
0xb2: {  	v2 =	vnsel vm0, $0x0, v2;
	vm0 =	vgt.s32 v4, $0x0  }
0xb3: {  	v2 =	vmin.u32 v2, $0x270F;
	v3 =	vnsel vm0, $0x0, v4  }
0xb4: {  	v3 =	vmin.u32 v3, $0x270F;
	_ =	sdelay $0x1  }
0xb5: {  	v4 =	vpop (erf)  }
0xb6: {  	[tilespmem:s25+$0x16BE0] =	vst v4;
	s25 =	smov.u32 s26  }
0xb7: {  	v2 =	vld.idx.msk [tilespmem:v2+s19+$0x0], $0xffff  }
0xb8: {  	v3 =	vld.idx.msk [tilespmem:v3+s20+$0x0], $0xffff;
	_ =	sdelay $0x4  }
0xb9: {  	[tilespmem:s25+$0x11BE0] =	vst v2  }
0xba: {  	v2 =	vadd.f32 v3, v2;
	[tilespmem:s25+$0x143E0] =	vst v3;
	_ =	sdelay $0x1  }
.Ltmp5:
0xbb: {  	v3 =	vmul.f32 $2.000000030e-01, v2;
	(pc) =	sbr.rel @p0 .LBB2_9-.Ltmp5, $4  }
0xbc: {  	_ = 	snop  }
0xbd: {  	v2 =	vmax.f32 v2, v3  }
0xbe: {  	s26 =	sshra.s32 s28, $0x2;
	v3 =	vmul.f32 $1.442695020e+00, v2  }
0xbf: {  	s28 =	sadd.s32 $0x40, s28;
	v2 =	vld [tilespmem:s26+$0xCBE0]  }
0xc0: {  	v4 =	vld [tilespmem:s26+$0xF3E0];
	(erf) = vpow2.f32 v3;
	_ =	sdelay $0x3  }
0xc1: {  	vm0 =	vgt.s32 v2, $0x0  }
0xc2: {  	v2 =	vnsel vm0, $0x0, v2;
	vm15 =	vgt.s32 v4, $0x0  }
0xc3: {  	v2 =	vmin.u32 v2, $0x270F;
	v3 =	vnsel vm15, $0x0, v4  }
0xc4: {  	v3 =	vmin.u32 v3, $0x270F;
	_ =	sdelay $0x1  }
0xc5: {  	v62 =	vpop (erf)  }
0xc6: {  	[tilespmem:s25+$0x16BE0] =	vst v62  }
0xc7: {  	v2 =	vld.idx.msk [tilespmem:v2+s19+$0x0], $0xffff  }
0xc8: {  	v3 =	vld.idx.msk [tilespmem:v3+s20+$0x0], $0xffff;
	_ =	sdelay $0x4  }
0xc9: {  	v63 =	vadd.f32 v3, v2;
	_ =	sdelay $0x1  }
0xca: {  	v5 =	vmul.f32 $2.000000030e-01, v63;
	_ =	sdelay $0x1  }
0xcb: {  	v4 =	vmax.f32 v63, v5  }
0xcc: {  	v4 =	vmul.f32 $1.442695020e+00, v4;
	_ =	sdelay $0x1  }
0xcd: {  	(erf) = vpow2.f32 v4;
	_ =	sdelay $0x7  }
0xce: {  	[tilespmem:s26+$0x11BE0] =	vst v2  }
0xcf: {  	[tilespmem:s26+$0x143E0] =	vst v3;
	v2 =	vpop (erf)  }
0xd0: {  	[tilespmem:s26+$0x16BE0] =	vst v2  }
0xd1: {  	[hbm4b:s8+s2] =	stream.linear.scatter [tilespmem:s21], [sflag:$0x1], $0x2800, $0x38;
	[tilespmem:$0x193E0] =	vst v63  }
0xd2: {  	_ =	swait.ge [sflag:s14], $0x2800  }
0xd3: {  	[sflag:s14] =	ssyncset.done $0x0  }
0xd4: {  	[sflag:s14] =	ssyncadd.s32 $0xFFFFD800  }
0xd5: {  	[hbm4b:s9+s2] =	stream.linear.scatter [tilespmem:s22], [sflag:$0x1], $0x2800, $0x38;
	[tilespmem:$0x193E0] =	vst v63  }
0xd6: {  	s24 =	sadd.s32 $0x1, s24;
	_ =	swait.ge [sflag:s14], $0x2800  }
0xd7: {  	p0 =	sne.s32 s24, s11;
	[sflag:s14] =	ssyncset.done $0x0  }
.Ltmp6:
0xd8: {  	[sflag:s14] =	ssyncadd.s32 $0xFFFFD800;
	(pc) =	sbr.rel @p0 .LBB2_2-.Ltmp6, $4  }
0xd9: {  	[hbm4b:s10+s2] =	stream.linear.scatter [tilespmem:s23], [sflag:$0x1], $0x2800, $0x38;
	[tilespmem:$0x193E0] =	vst v63  }
0xda: {  	_ =	swait.ge [sflag:s14], $0x2800  }
0xdb: {  	[sflag:s14] =	ssyncset.done $0x0  }
0xdc: {  	[sflag:s14] =	ssyncadd.s32 $0xFFFFD800  }
.LBB2_11:
0xdd: {  	_ =	sfence.sel $0x180000  }
0xde: {  	[bflag:$0x0] =	sbarrier.arrive $0xFFFF  }
0xdf: {  	p0 =	sne.s32 s1, $0x0;
	_ =	strace $0x90000047  }
0xe0: {  	s0 =	sadd.s32 @!p0 $0x100000, s0;
	[bflag:$0x2] =	sbarrier.arrive $0xFFFF  }
0xe1: {  	[sflag:s0] =	ssyncadd.tile.s32 @!p0 $0x1;
	_ =	shalt  }
.Lfunc_end2:
_tile_overlayer_lowered:
.L_overlay_start_2:
0xe2: {  	(tag) =	ssettag $0x2  }
0xe3: {  	s0 =	rddreg [dreg:$0x0];
	s2 =	stileid.u32  }
0xe4: {  	s1 =	rddreg [dreg:$0x1];
	p0 =	sne.s32 s2, $0x0  }
0xe5: {  	s3 =	rddreg [dreg:$0x2];
	[bflag:$0x3] =	sbarrier.arrive $0xFFFF;
	s2 =	simm.s32 @!p0 $0x1C01  }
0xe6: {  	[timem:s3], [sflag:s2] =	dma.local @!p0 [hbm:s0], s1  }
0xe7: {  	s0 =	simm.s32 @!p0 $0x1  }
0xe8: {  	_ =	swait.ge @!p0 [sflag:s0], s1  }
0xe9: {  	s1 =	ssub.s32 @!p0 $0x0, s1;
	[sflag:s0] =	ssyncset.done @!p0 $0x0  }
0xea: {  	[sflag:s0] =	ssyncadd.s32 @!p0 s1  }
0xeb: {  	[bflag:$0x3] =	sbarrier.arrive $0xFFFF  }
0xec: {  	_ =	shalt  }

// kernel: kernel.9.cloned.1.call-start
scs
__scs_entry_jumppad:
0x0: {  	(pc) =	sbr.rel $0x88, $3  }
0x1: {  	(tag) =	ssettag $0x0;
	lr =	simm.s32 $0x1  }
0x2: {  	[smem:$0x3F9B] =	sst lr;
	_ =	strace $0xD0000000  }
0x3: {  	_ = 	snop  }
0x4: {  	_ = 	snop  }
0x5: {  	_ = 	snop  }
0x6: {  	_ = 	snop  }
0x7: {  	_ = 	snop  }
__scs_overlays_trampoline_lowered:
0x8: {  	[smem:$0x3FAA] =	sst s0  }
0x9: {  	[smem:$0x3FAB] =	sst s1  }
0xa: {  	[smem:$0x3FAC] =	sst s2  }
0xb: {  	[smem:$0x3FAD] =	sst s3  }
0xc: {  	[smem:$0x3FAE] =	sst s4  }
0xd: {  	[smem:$0x3FAF] =	sst s5  }
0xe: {  	[smem:$0x3FB0] =	sst s6  }
0xf: {  	[smem:$0x3FB1] =	sst s7  }
0x10: {  	[smem:$0x3FB2] =	sst s8  }
0x11: {  	[smem:$0x3FB3] =	sst s9;
	s0 =	simm.s32 @!p0 $0x0  }
0x12: {  	s1 =	sld [smem:$0x3F99];
	s0 =	simm.s32 @p0 $0x1  }
0x13: {  	[smem:$0x3FB4] =	sst s0;
	s0 =	simm.s32 @!p1 $0x0  }
0x14: {  	s2 =	sld [smem:$0x3F98];
	s0 =	simm.s32 @p1 $0x1  }
0x15: {  	[smem:$0x3FB5] =	sst s0;
	s0 =	simm.s32 @!p2 $0x0  }
0x16: {  	s3 =	sld [smem:$0x3FDB];
	s0 =	simm.s32 @p2 $0x1  }
0x17: {  	s4 =	simm.s32 $0x1BF5;
	[smem:$0x3FB7] =	sst s0  }
0x18: {  	s0 =	sld [smem:$0x3F9A];
	_ =	swait.ge [sflag:s4], $0x0  }
0x19: {  	s7 =	sld [smem:$0x3F9B]  }
0x1a: {  	s8 =	sadd.s32 $0xFFFFE003, lr  }
0x1b: {  	s9 =	sadd.s32 $0xFFFFFEF7, lr;
	s5 =	simm.s32 $0xFFFFFFFF;
	p2 =	slt.u32 s8, $0xFFFFF086  }
0x1c: {  	p1 =	slt.u32 s9, $0xF7A;
	s5 =	simm.s32 @!p2 $0x0  }
0x1d: {  	s5 =	simm.s32 @p1 $0x1;
	p0 =	seq.s32 s7, s2  }
0x1e: {  	s7 =	smul.u32 @!p0 $0xF7A, s2;
	p2 =	seq.s32 @!p0 s5, $0x0  }
0x1f: {  	s9 =	smul.u32 $0xF7A, s1;
	s8 =	simm.s32 @!p0 $0x1BF5;
	p2 =	por !p2, p0  }
0x20: {  	[sflag:s8] =	ssyncset.s32 @!p0 $0xFFFFF086;
	s6 =	sadd.s32 @!p0 s3, s7;
	s7 =	simm.s32 @!p0 $0x108  }
0x21: {  	s3 =	sadd.s32 s3, s9;
	s6 =	sadd.s32 @!p0 $0x88, s6;
	s7 =	simm.s32 @p2 $0x1082  }
0x22: {  	[simem:s7], [sflag:s8] =	dma.local @!p0 [hbm:s6], $0xF7A  }
0x23: {  	s9 =	sor.u32 $0xD0000000, s2;
	s6 =	simm.s32 $0x108;
	_ =	swait.ge @!p0 [sflag:s8], $0x0  }
0x24: {  	s3 =	sadd.s32 $0x88, s3;
	s6 =	simm.s32 @!p1 $0x1082;
	[sflag:s4] =	ssyncset.s32 $0xFFFFF086  }
0x25: {  	[simem:s6], [sflag:s4] =	dma.local [hbm:s3], $0xF7A  }
0x26: {  	[smem:$0x3F9B] =	sst s1;
	(tag) =	ssettag s2;
	_ =	strace s9  }
0x27: {  	s1 =	sld [smem:$0x3FAB]  }
0x28: {  	s2 =	sld [smem:$0x3FAC]  }
0x29: {  	s4 =	sld [smem:$0x3FAE]  }
0x2a: {  	p0 =	seq.s32 s5, $0x0;
	s5 =	sld [smem:$0x3FAF]  }
0x2b: {  	s6 =	sld [smem:$0x3FB0]  }
0x2c: {  	s7 =	sld [smem:$0x3FB1]  }
0x2d: {  	s3 =	simm.s32 $0x108;
	s8 =	sld [smem:$0x3FB2]  }
0x2e: {  	s3 =	simm.s32 @!p0 $0x1082;
	s9 =	sld [smem:$0x3FB3]  }
0x2f: {  	lr =	sadd.s32 s0, s3;
	s0 =	sld [smem:$0x3FAA]  }
0x30: {  	s3 =	sld [smem:$0x3FAD]  }
0x31: {  	[smem:$0x3FB6] =	sst s10  }
0x32: {  	s10 =	sld [smem:$0x3FB4];
	_ =	sdelay $0x3  }
0x33: {  	p0 =	seq.s32 s10, $0x1;
	s10 =	sld [smem:$0x3FB6];
	_ =	sdelay $0x3  }
0x34: {  	[smem:$0x3FB6] =	sst s10  }
0x35: {  	s10 =	sld [smem:$0x3FB5];
	_ =	sdelay $0x3  }
0x36: {  	p1 =	seq.s32 s10, $0x1;
	s10 =	sld [smem:$0x3FB6];
	_ =	sdelay $0x3  }
0x37: {  	[smem:$0x3FB6] =	sst s10  }
0x38: {  	s10 =	sld [smem:$0x3FB7]  }
0x39: {  	_ = 	snop;
	(pc) =	sbr.ind lr, $3  }
0x3a: {  	_ = 	snop  }
0x3b: {  	_ = 	snop  }
0x3c: {  	p2 =	seq.s32 s10, $0x1;
	s10 =	sld [smem:$0x3FB6]  }
0x3d: {  	_ =	shalt  }
0x3e: {  	_ =	shalt  }
0x3f: {  	_ =	shalt  }
0x40: {  	_ =	shalt  }
0x41: {  	_ =	shalt  }
0x42: {  	_ =	shalt  }
0x43: {  	_ =	shalt  }
0x44: {  	_ =	shalt  }
0x45: {  	_ =	shalt  }
0x46: {  	_ =	shalt  }
0x47: {  	_ =	shalt  }
0x48: {  	_ =	shalt  }
0x49: {  	_ =	shalt  }
0x4a: {  	_ =	shalt  }
0x4b: {  	_ =	shalt  }
0x4c: {  	_ =	shalt  }
0x4d: {  	_ =	shalt  }
0x4e: {  	_ =	shalt  }
0x4f: {  	_ =	shalt  }
0x50: {  	_ =	shalt  }
0x51: {  	_ =	shalt  }
0x52: {  	_ =	shalt  }
0x53: {  	_ =	shalt  }
0x54: {  	_ =	shalt  }
0x55: {  	_ =	shalt  }
0x56: {  	_ =	shalt  }
0x57: {  	_ =	shalt  }
0x58: {  	_ =	shalt  }
0x59: {  	_ =	shalt  }
0x5a: {  	_ =	shalt  }
0x5b: {  	_ =	shalt  }
0x5c: {  	_ =	shalt  }
0x5d: {  	_ =	shalt  }
0x5e: {  	_ =	shalt  }
0x5f: {  	_ =	shalt  }
0x60: {  	_ =	shalt  }
0x61: {  	_ =	shalt  }
0x62: {  	_ =	shalt  }
0x63: {  	_ =	shalt  }
0x64: {  	_ =	shalt  }
0x65: {  	_ =	shalt  }
0x66: {  	_ =	shalt  }
0x67: {  	_ =	shalt  }
0x68: {  	_ =	shalt  }
0x69: {  	_ =	shalt  }
0x6a: {  	_ =	shalt  }
0x6b: {  	_ =	shalt  }
0x6c: {  	_ =	shalt  }
0x6d: {  	_ =	shalt  }
0x6e: {  	_ =	shalt  }
0x6f: {  	_ =	shalt  }
0x70: {  	_ =	shalt  }
0x71: {  	_ =	shalt  }
0x72: {  	_ =	shalt  }
0x73: {  	_ =	shalt  }
0x74: {  	_ =	shalt  }
0x75: {  	_ =	shalt  }
0x76: {  	_ =	shalt  }
0x77: {  	_ =	shalt  }
0x78: {  	_ =	shalt  }
0x79: {  	_ =	shalt  }
0x7a: {  	_ =	shalt  }
0x7b: {  	_ =	shalt  }
0x7c: {  	_ =	shalt  }
0x7d: {  	_ =	shalt  }
0x7e: {  	_ =	shalt  }
0x7f: {  	_ =	shalt  }
0x80: {  	_ =	shalt  }
0x81: {  	_ =	shalt  }
0x82: {  	_ =	shalt  }
0x83: {  	_ =	shalt  }
0x84: {  	_ =	shalt  }
0x85: {  	_ =	shalt  }
0x86: {  	_ =	shalt  }
0x87: {  	_ =	shalt  }
.Lfunc_end0:
.L_simem_size_0:
called_computation.1_lowered:
.L_overlay_start_0:
0x88: {  	s2 =	sld [smem:$0x3FD9]  }
0x89: {  	s3 =	sld [smem:$0x3FFE];
	_ =	sdelay $0x1  }
0x8a: {  	s1 =	srdreg.scid  }
0x8b: {  	s0 =	sand.u32 $0x1, s1  }
0x8c: {  	s17 =	sshll.u32 s0, $0xA;
	s2 =	sadd.s32 s3, s2  }
0x8d: {  	s2 =	sadd.s32 s2, s17  }
0x8e: {  	[smem:$0x3FC2] =	sst s2  }
0x8f: {  	_ = 	snop  }
0x90: {  	s2 =	sld [smem:$0x3FD0];
	(tm) =	ssettm $0x1  }
0x91: {  	s18 =	sld [smem:$0x3FFB];
	_ =	sdelay $0x3  }
0x92: {  	_ =	strace s18  }
0x93: {  	s3 =	sld [smem:$0x3FFC];
	_ =	sdelay $0x3  }
0x94: {  	_ =	strace s3  }
0x95: {  	s3 =	sld [smem:$0x3FFD];
	_ =	sdelay $0x3  }
0x96: {  	_ =	strace s3  }
0x97: {  	_ =	strace $0x8FFFFFFF  }
0x98: {  	s19 =	sld [smem:$0x3FDB];
	_ =	sdelay $0x1  }
0x99: {  	s4 =	simm.s32 $_scs_section_size  }
0x9a: {  	s5 =	simm.s32 $_size__tile_overlayer_lowered;
	s6 =	simm.s32 $_tile_overlayer_lowered  }
0x9b: {  	s22 =	simm.s32 $0x1BFF;
	s21 =	sshll.u32 s6, $0x1;
	s3 =	sadd.s32 s4, s19  }
0x9c: {  	s7 =	simm.s32 $0x0;
	s20 =	sshll.u32 s5, $0x1;
	s5 =	sadd.s32 s21, s3  }
0x9d: {  	[timem:s7], [sflag:s22] =	dma.local [hbm:s5], s20  }
0x9e: {  	_ =	swait.ge [sflag:s22], s20  }
0x9f: {  	s4 =	ssub.s32 $0x0, s20;
	[sflag:s22] =	ssyncset.done $0x0  }
0xa0: {  	[sflag:s22] =	ssyncadd.s32 s4;
	_ =	sdelay $0x1  }
0xa1: {  	s23 =	simm.s32 $0x1B8B  }
0xa2: {  	_ =	swait.ge [sflag:s23], $0x1  }
0xa3: {  	[sflag:s23] =	ssyncset.done $0x0  }
0xa4: {  	s25 =	simm.s32 $0x1B8E;
	s24 =	sld [smem:$0x3FFE];
	[sflag:s23] =	ssyncadd.s32 $0xFFFFFFFF  }
0xa5: {  	s26 =	simm.s32 $execute0_lowered;
	[smem:$0x3FD2] =	sst s25  }
0xa6: {  	s5 =	sshll.u32 s26, $0x1;
	_ =	strace $0x80000049;
	[dreg:$0x1] =	wrdreg $0xFFFFFFFF  }
0xa7: {  	s28 =	simm.s32 $_size_execute0_lowered;
	s3 =	sadd.s32 s3, s5;
	[dreg:$0x0] =	wrdreg $0x0  }
0xa8: {  	s5 =	sshll.u32 s28, $0x1;
	[dreg:$0x2] =	wrdreg s3  }
0xa9: {  	[dreg:$0x3] =	wrdreg s5  }
0xaa: {  	[dreg:$0x4] =	wrdreg $0xC0  }
0xab: {  	_ =	task [dreg:s7], $0x5FFFF  }
0xac: {  	[dreg:$0x1] =	wrdreg $0xFFFFFFFF  }
0xad: {  	[dreg:$0x0] =	wrdreg $0x60  }
0xae: {  	[dreg:$0x2] =	wrdreg s24  }
0xaf: {  	[dreg:$0x3] =	wrdreg s2  }
0xb0: {  	[dreg:$0x4] =	wrdreg $0x7E900  }
0xb1: {  	[dreg:$0x5] =	wrdreg $0x1BE900  }
0xb2: {  	[dreg:$0x6] =	wrdreg $0x9  }
0xb3: {  	_ =	task.clear_ibuf [dreg:s7], $0x7FFFF;
	_ =	strace $0x90000049  }
0xb4: {  	s29 =	simm.s32 $0x9;
	_ =	strace $0x8000004B  }
0xb5: {  	_ =	swait.ge [sflag:s29], $0x1  }
0xb6: {  	[sflag:s29] =	ssyncadd.s32 $0xFFFFFFFF  }
0xb7: {  	_ =	strace $0x9000004B  }
0xb8: {  	_ =	sfence  }
0xb9: {  	s30 =	sld [smem:$0x0];
	_ =	sdelay $0x2  }
0xba: {  	s31 =	sshll.u32 s1, $0xD;
	s1 =	sshrl.u32 s1, $0x2  }
0xbb: {  	s3 =	sand.u32 $0x4000, s31;
	s1 =	sadd.s32 s1, s30  }
0xbc: {  	s0 =	sor.u32 s3, s0;
	s1 =	sshll.u32 s1, $0x11  }
0xbd: {  	s0 =	sor.u32 s1, s0  }
0xbe: {  	s0 =	sadd.s32 $0x8F2B, s0  }
0xbf: {  	[sflag:s0] =	ssyncadd.remote.s32 $0x1  }
0xc0: {  	_ =	sfence.sel $0xFFFF  }
0xc1: {  	[dreg:$0x0] =	wrdreg $0xFFFFFFFF;
	(pc) =	sbr.abs _section_cstart, $3  }
0xc2: {  	[dreg:$0x1] =	wrdreg $0xFFFFFFFF  }
0xc3: {  	_ =	task.clear_ibuf [dreg:s7], $0x2FFFF;
	_ =	strace $0x9FFFFFFF  }
0xc4: {  	(tm) =	ssettm $0x7FFFFFFF  }
0xc5: {  	_ =	shalt  }
tec
execute0_lowered:
.L_overlay_start_1:
0x0: {  	(tag) =	ssettag $0x1  }
0x1: {  	s0 =	rddreg [dreg:$0x0]  }
0x2: {  	s1 =	rddreg [dreg:$0x1]  }
0x3: {  	s3 =	rddreg [dreg:$0x2]  }
0x4: {  	s4 =	rddreg [dreg:$0x3];
	s14 =	stileid.u32  }
0x5: {  	s2 =	srdreg.scid;
	s5 =	simm.s32 $0x0;
	s8 =	smul.u32 $0x14000, s14  }
0x6: {  	s2 =	sand.u32 $0x1, s2;
	[smem:$0x7FF] =	sst s5;
	s11 =	smul.u32 $0x2800, s14  }
0x7: {  	s6 =	sadd.s32 $0xAE00, s0;
	s7 =	sadd.s32 $0x1000, s0;
	s15 =	smul.u32 $0x280, s14  }
0x8: {  	s10 =	sadd.s32 $0x16000, s0;
	s13 =	sadd.s32 $0x16600, s0;
	s9 =	smul.u32 $0x140000, s2  }
0x9: {  	_ =	strace $0x8000004A;
	[dreg:$0x5] =	wrdreg s10;
	s26 =	smul.u32 $0x28000, s2  }
0xa: {  	s12 =	sshll.u32 s2, $0x4;
	[dreg:$0x6] =	wrdreg s13;
	s2 =	ssub.s32 $0x2, s2  }
0xb: {  	s12 =	sor.u32 s14, s12;
	s16 =	sshrl.u32 s2, $0x1;
	s19 =	sor.u32 $0x50, s15  }
0xc: {  	s14 =	sadd.s32 s11, s4;
	s22 =	sadd.s32 $0xA0, s15;
	s25 =	sadd.s32 $0xF0, s15  }
0xd: {  	s9 =	sadd.s32 s8, s9;
	s28 =	sadd.s32 s11, s26;
	s10 =	smul.u32 $0x2710, s12  }
0xe: {  	s2 =	ssub.s32 s2, s16;
	s20 =	sshll.u32 s19, $0x7;
	s21 =	sshll.u32 s19, $0x4  }
0xf: {  	s23 =	sshll.u32 s22, $0x7;
	s11 =	sshll.u32 s22, $0x4;
	s26 =	sshll.u32 s25, $0x7  }
0x10: {  	s9 =	sshrl.u32 s9, $0x3;
	s13 =	sshrl.u32 s28, $0x3;
	s24 =	sadd.s32 s11, s4  }
0x11: {  	s28 =	sadd.s32 $0x140, s15;
	s11 =	sadd.s32 s26, s3;
	s9 =	sadd.s32 s9, s0  }
0x12: {  	s0 =	sadd.s32 s13, s0;
	s17 =	sshrl.u32 s10, $0x3;
	[dreg:$0xc] =	wrdreg s24  }
0x13: {  	s13 =	sadd.s32 s8, s3;
	s8 =	sadd.s32 s20, s3;
	[dreg:$0xd] =	wrdreg s11  }
0x14: {  	s16 =	sshll.u32 s28, $0x7;
	s20 =	sadd.s32 $0x1E0, s15;
	s24 =	sadd.s32 $0x230, s15  }
0x15: {  	s18 =	sadd.s32 s6, s17;
	s12 =	sadd.s32 s7, s17;
	[dreg:$0x9] =	wrdreg s8  }
0x16: {  	s8 =	sadd.s32 s21, s4;
	s17 =	sshll.u32 s28, $0x4;
	s22 =	sshll.u32 s20, $0x7  }
0x17: {  	s26 =	sshll.u32 s24, $0x7;
	s30 =	sadd.s32 $0x20C00, s9;
	[dreg:$0x7] =	wrdreg s18  }
0x18: {  	s31 =	sadd.s32 $0x16C00, s0;
	s0 =	smax.u32 s2, $0x1;
	[dreg:$0x8] =	wrdreg s12  }
0x19: {  	s2 =	simm.s32 $0x4;
	s9 =	simm.s32 $0x5000;
	[dreg:$0xa] =	wrdreg s8  }
0x1a: {  	s8 =	sadd.s32 s23, s3;
	s18 =	sadd.s32 $0x190, s15;
	s23 =	sadd.s32 s22, s3  }
0x1b: {  	s28 =	sadd.s32 s26, s3;
	s12 =	simm.s32 $0x50;
	[dreg:$0xb] =	wrdreg s8  }
0x1c: {  	s15 =	simm.s32 $0x1;
	s8 =	sshll.u32 s25, $0x4;
	[dreg:$0x13] =	wrdreg s23  }
0x1d: {  	s25 =	sshll.u32 s20, $0x4;
	[dreg:$0x15] =	wrdreg s28;
	s8 =	sadd.s32 s8, s4  }
0x1e: {  	s19 =	sshll.u32 s18, $0x7;
	s11 =	sadd.s32 s25, s4;
	[dreg:$0xe] =	wrdreg s8  }
0x1f: {  	s21 =	sshll.u32 s18, $0x4;
	s8 =	sadd.s32 s16, s3;
	[dreg:$0x14] =	wrdreg s11  }
0x20: {  	v0 =	vlaneseq.u32;
	s18 =	simm.s32 $0x7940;
	[dreg:$0xf] =	wrdreg s8;
	s8 =	sadd.s32 s17, s4  }
0x21: {  	v0 =	vmul.u32 $0x10, v0;
	s11 =	simm.s32 $0x7990;
	[dreg:$0x10] =	wrdreg s8;
	s8 =	sadd.s32 s19, s3  }
0x22: {  	s16 =	simm.s32 $0x2;
	[dreg:$0x11] =	wrdreg s8;
	s8 =	sadd.s32 s21, s4  }
0x23: {  	v1 =	vimm.f32 $0.0e+00;
	v2 =	vor.u32 $0x100, v0;
	s17 =	simm.s32 $0x3;
	[dreg:$0x12] =	wrdreg s8;
	s8 =	sshll.u32 s24, $0x4  }
0x24: {  	v3 =	vor.u32 $0x200, v0;
	v4 =	vor.u32 $0x300, v0;
	v5 =	vor.u32 $0x400, v0;
	s19 =	simm.s32 $0x0;
	s29 =	sadd.s32 s8, s4;
	s8 =	simm.s32 $0x2800  }
.LBB2_1:
0x25: {  	s20 =	rddreg [dreg:$0x7];
	s21 =	simm.s32 $0x7800  }
0x26: {  	[tilespmem:s21], [sflag:$0x1] =	stream.linear.gather [hbm4b:s20+s5], $0x50, $0x38;
	[tilespmem:$0x1E690] =	vst v63  }
0x27: {  	s24 =	rddreg [dreg:$0x8];
	s25 =	simm.s32 $0x78A0  }
0x28: {  	[tilespmem:s25], [sflag:$0x2] =	stream.linear.gather [hbm4b:s24+s5], $0x50, $0x38;
	[tilespmem:$0x1E690] =	vst v63  }
0x29: {  	s26 =	rddreg [dreg:$0x5]  }
0x2a: {  	[tilespmem:s5], [sflag:$0x4] =	stream.linear.gather [hbm4b:s26+s5], $0x2800, $0x38;
	[tilespmem:$0x1E690] =	vst v63  }
0x2b: {  	_ =	swait.ge [sflag:s2], $0x2800  }
0x2c: {  	[sflag:s2] =	ssyncset.done $0x0  }
0x2d: {  	s28 =	rddreg [dreg:$0x6];
	[sflag:s2] =	ssyncadd.s32 $0xFFFFD800  }
0x2e: {  	[tilespmem:s8], [sflag:$0x4] =	stream.linear.gather [hbm4b:s28+s5], $0x2800, $0x38;
	[tilespmem:$0x1E690] =	vst v63  }
0x2f: {  	_ =	swait.ge [sflag:s2], $0x2800  }
0x30: {  	[sflag:s2] =	ssyncset.done $0x0  }
0x31: {  	s20 =	simm.s32 $0x0;
	[sflag:s2] =	ssyncadd.s32 $0xFFFFD800  }
.LBB2_2:
0x32: {  	p0 =	sne.s32 s20, $0x13C0  }
.Ltmp0:
0x33: {  	_ = 	snop;
	(pc) =	sbr.rel @p0 .LBB2_2-.Ltmp0, $3  }
0x34: {  	_ =	sdelay $0x1  }
0x35: {  	s21 =	sshra.s32 s20, $0x2  }
0x36: {  	s20 =	sadd.s32 $0x40, s20;
	[tilespmem:s21+$0x7990] =	vst v1  }
0x37: {  	s20 =	simm.s32 $0x0;
	s21 =	simm.s32 $0x200  }
.LBB2_4:
0x38: {  	p0 =	sne.s32 s21, $0x9E00;
	[tilespmem:s20+$0x5070] =	vst v1  }
0x39: {  	[tilespmem:s20+$0x5000] =	vst v1  }
0x3a: {  	[tilespmem:s20+$0x5010] =	vst v1  }
.Ltmp1:
0x3b: {  	[tilespmem:s20+$0x5020] =	vst v1;
	(pc) =	sbr.rel @p0 .LBB2_4-.Ltmp1, $4  }
0x3c: {  	[tilespmem:s20+$0x5030] =	vst v1  }
0x3d: {  	[tilespmem:s20+$0x5040] =	vst v1  }
0x3e: {  	[tilespmem:s20+$0x5050] =	vst v1  }
0x3f: {  	[tilespmem:s20+$0x5060] =	vst v1;
	s20 =	sshra.s32 s21, $0x2;
	s21 =	sadd.s32 $0x200, s21  }
0x40: {  	[tilespmem:s20+$0x5070] =	vst v1  }
0x41: {  	[tilespmem:s20+$0x5000] =	vst v1  }
0x42: {  	[tilespmem:s20+$0x5010] =	vst v1  }
0x43: {  	[tilespmem:s20+$0x5020] =	vst v1  }
0x44: {  	[tilespmem:s20+$0x5030] =	vst v1  }
0x45: {  	[tilespmem:s20+$0x5040] =	vst v1  }
0x46: {  	[tilespmem:s20+$0x5050] =	vst v1  }
0x47: {  	[tilespmem:s20+$0x5060] =	vst v1  }
0x48: {  	[spmem:s13] =	stream.linear.scatter [tilespmem:s9], [sflag:$0x4], $0x2800, $0x38;
	[tilespmem:$0x1E690] =	vst v63  }
0x49: {  	_ =	swait.ge [sflag:s2], $0x2800  }
0x4a: {  	[sflag:s2] =	ssyncset.done $0x0  }
0x4b: {  	[sflag:s2] =	ssyncadd.s32 $0xFFFFD800  }
0x4c: {  	[spmem:s14] =	stream.linear.scatter [tilespmem:s11], [sflag:$0x4], $0x500, $0x38;
	[tilespmem:$0x1E690] =	vst v63  }
0x4d: {  	_ =	swait.ge [sflag:s2], $0x500  }
0x4e: {  	[sflag:s2] =	ssyncset.done $0x0  }
0x4f: {  	s22 =	rddreg [dreg:$0x9];
	[sflag:s2] =	ssyncadd.s32 $0xFFFFFB00  }
0x50: {  	[spmem:s22] =	stream.linear.scatter [tilespmem:s9], [sflag:$0x4], $0x2800, $0x38;
	[tilespmem:$0x1E690] =	vst v63  }
0x51: {  	_ =	swait.ge [sflag:s2], $0x2800  }
0x52: {  	[sflag:s2] =	ssyncset.done $0x0  }
0x53: {  	s23 =	rddreg [dreg:$0xa];
	[sflag:s2] =	ssyncadd.s32 $0xFFFFD800  }
0x54: {  	[spmem:s23] =	stream.linear.scatter [tilespmem:s11], [sflag:$0x4], $0x500, $0x38;
	[tilespmem:$0x1E690] =	vst v63  }
0x55: {  	_ =	swait.ge [sflag:s2], $0x500  }
0x56: {  	[sflag:s2] =	ssyncset.done $0x0  }
0x57: {  	s24 =	rddreg [dreg:$0xb];
	[sflag:s2] =	ssyncadd.s32 $0xFFFFFB00  }
0x58: {  	[spmem:s24] =	stream.linear.scatter [tilespmem:s9], [sflag:$0x4], $0x2800, $0x38;
	[tilespmem:$0x1E690] =	vst v63  }
0x59: {  	_ =	swait.ge [sflag:s2], $0x2800  }
0x5a: {  	[sflag:s2] =	ssyncset.done $0x0  }
0x5b: {  	s25 =	rddreg [dreg:$0xc];
	[sflag:s2] =	ssyncadd.s32 $0xFFFFD800  }
0x5c: {  	[spmem:s25] =	stream.linear.scatter [tilespmem:s11], [sflag:$0x4], $0x500, $0x38;
	[tilespmem:$0x1E690] =	vst v63  }
0x5d: {  	_ =	swait.ge [sflag:s2], $0x500  }
0x5e: {  	[sflag:s2] =	ssyncset.done $0x0  }
0x5f: {  	s26 =	rddreg [dreg:$0xd];
	[sflag:s2] =	ssyncadd.s32 $0xFFFFFB00  }
0x60: {  	[spmem:s26] =	stream.linear.scatter [tilespmem:s9], [sflag:$0x4], $0x2800, $0x38;
	[tilespmem:$0x1E690] =	vst v63  }
0x61: {  	_ =	swait.ge [sflag:s2], $0x2800  }
0x62: {  	[sflag:s2] =	ssyncset.done $0x0  }
0x63: {  	s28 =	rddreg [dreg:$0xe];
	[sflag:s2] =	ssyncadd.s32 $0xFFFFD800  }
0x64: {  	[spmem:s28] =	stream.linear.scatter [tilespmem:s11], [sflag:$0x4], $0x500, $0x38;
	[tilespmem:$0x1E690] =	vst v63  }
0x65: {  	_ =	swait.ge [sflag:s2], $0x500  }
0x66: {  	[sflag:s2] =	ssyncset.done $0x0  }
0x67: {  	s21 =	rddreg [dreg:$0xf];
	[sflag:s2] =	ssyncadd.s32 $0xFFFFFB00  }
0x68: {  	[spmem:s21] =	stream.linear.scatter [tilespmem:s9], [sflag:$0x4], $0x2800, $0x38;
	[tilespmem:$0x1E690] =	vst v63  }
0x69: {  	_ =	swait.ge [sflag:s2], $0x2800  }
0x6a: {  	[sflag:s2] =	ssyncset.done $0x0  }
0x6b: {  	s22 =	rddreg [dreg:$0x10];
	[sflag:s2] =	ssyncadd.s32 $0xFFFFD800  }
0x6c: {  	[spmem:s22] =	stream.linear.scatter [tilespmem:s11], [sflag:$0x4], $0x500, $0x38;
	[tilespmem:$0x1E690] =	vst v63  }
0x6d: {  	_ =	swait.ge [sflag:s2], $0x500  }
0x6e: {  	[sflag:s2] =	ssyncset.done $0x0  }
0x6f: {  	s23 =	rddreg [dreg:$0x11];
	[sflag:s2] =	ssyncadd.s32 $0xFFFFFB00  }
0x70: {  	[spmem:s23] =	stream.linear.scatter [tilespmem:s9], [sflag:$0x4], $0x2800, $0x38;
	[tilespmem:$0x1E690] =	vst v63  }
0x71: {  	_ =	swait.ge [sflag:s2], $0x2800  }
0x72: {  	[sflag:s2] =	ssyncset.done $0x0  }
0x73: {  	s24 =	rddreg [dreg:$0x12];
	[sflag:s2] =	ssyncadd.s32 $0xFFFFD800  }
0x74: {  	[spmem:s24] =	stream.linear.scatter [tilespmem:s11], [sflag:$0x4], $0x500, $0x38;
	[tilespmem:$0x1E690] =	vst v63  }
0x75: {  	_ =	swait.ge [sflag:s2], $0x500  }
0x76: {  	[sflag:s2] =	ssyncset.done $0x0  }
0x77: {  	s25 =	rddreg [dreg:$0x13];
	[sflag:s2] =	ssyncadd.s32 $0xFFFFFB00  }
0x78: {  	[spmem:s25] =	stream.linear.scatter [tilespmem:s9], [sflag:$0x4], $0x2800, $0x38;
	[tilespmem:$0x1E690] =	vst v63  }
0x79: {  	_ =	swait.ge [sflag:s2], $0x2800  }
0x7a: {  	[sflag:s2] =	ssyncset.done $0x0  }
0x7b: {  	s26 =	rddreg [dreg:$0x14];
	[sflag:s2] =	ssyncadd.s32 $0xFFFFD800  }
0x7c: {  	[spmem:s26] =	stream.linear.scatter [tilespmem:s11], [sflag:$0x4], $0x500, $0x38;
	[tilespmem:$0x1E690] =	vst v63  }
0x7d: {  	_ =	swait.ge [sflag:s2], $0x500  }
0x7e: {  	[sflag:s2] =	ssyncset.done $0x0  }
0x7f: {  	s28 =	rddreg [dreg:$0x15];
	[sflag:s2] =	ssyncadd.s32 $0xFFFFFB00  }
0x80: {  	[spmem:s28] =	stream.linear.scatter [tilespmem:s9], [sflag:$0x4], $0x2800, $0x38;
	[tilespmem:$0x1E690] =	vst v63  }
0x81: {  	_ =	swait.ge [sflag:s2], $0x2800  }
0x82: {  	[sflag:s2] =	ssyncset.done $0x0  }
0x83: {  	[sflag:s2] =	ssyncadd.s32 $0xFFFFD800  }
0x84: {  	[spmem:s29] =	stream.linear.scatter [tilespmem:s11], [sflag:$0x4], $0x500, $0x38;
	[tilespmem:$0x1E690] =	vst v63  }
0x85: {  	_ =	swait.ge [sflag:s2], $0x500  }
0x86: {  	[sflag:s2] =	ssyncset.done $0x0  }
0x87: {  	[sflag:s2] =	ssyncadd.s32 $0xFFFFFB00  }
0x88: {  	s20 =	simm.s32 $0x0;
	s21 =	simm.s32 $0x0;
	[bflag:$0x0] =	sbarrier.arrive $0xFFFF  }
.LBB2_6:
0x89: {  	s22 =	smov.u32 s21;
	_ =	swait.ge [sflag:s15], $0x50  }
0x8a: {  	s21 =	sadd.s32 $0x1, s21;
	p0 =	seq.s32 s22, $0x7C;
	[sflag:s15] =	ssyncset.done $0x0  }
0x8b: {  	s22 =	sand.u32 $0x1, s22;
	s23 =	sand.u32 @!p0 $0x1, s21;
	[sflag:s15] =	ssyncadd.s32 $0xFFFFFFB0  }
0x8c: {  	s24 =	smul.u32 @!p0 $0x50, s21;
	s28 =	simm.s32 @!p0 $0x0;
	p1 =	seq.s32 @!p0 s23, $0x1  }
0x8d: {  	s23 =	simm.s32 @!p0 $0x50;
	_ =	swait.ge [sflag:s16], $0x50;
	p1 =	por !p1, p0  }
0x8e: {  	[sflag:s16] =	ssyncset.done $0x0;
	s24 =	sadd.s32 @!p0 s10, s24;
	s23 =	simm.s32 @p1 $0x0  }
0x8f: {  	p1 =	seq.s32 s22, $0x1;
	s22 =	simm.s32 $0x50;
	s24 =	sshrl.u32 @!p0 s24, $0x3  }
0x90: {  	[sflag:s16] =	ssyncadd.s32 $0xFFFFFFB0;
	s25 =	sor.u32 @!p0 $0x7800, s23;
	s26 =	sadd.s32 @!p0 s6, s24  }
0x91: {  	[tilespmem:s25], [sflag:$0x1] =	stream.linear.gather @!p0 [hbm4b:s26+s28], $0x50, $0x38;
	[tilespmem:$0x1E690] =	vst v63  }
0x92: {  	s22 =	simm.s32 @!p1 $0x0;
	s23 =	sor.u32 @!p0 $0x78A0, s23;
	s24 =	sadd.s32 @!p0 s7, s24  }
0x93: {  	[tilespmem:s23], [sflag:$0x2] =	stream.linear.gather @!p0 [hbm4b:s24+s28], $0x50, $0x38;
	[tilespmem:$0x1E690] =	vst v63  }
0x94: {  	s25 =	sor.u32 $0x7800, s22  }
0x95: {  	[tilespmem:s9], [sflag:$0x3] =	stream.indirect.gather [hbm4b:s1+s12], $0x80, s25, s12, $0xb8;
	[tilespmem:$0x1E690] =	vst v63  }
0x96: {  	v6 =	vld [tilespmem:s22+$0x7800]  }
0x97: {  	v7 =	vld [tilespmem:s22+$0x78A0];
	_ =	sdelay $0x6  }
0x98: {  	v8 =	vld.idx.msk [tilespmem:v6+s20+$0x0], $0xffff  }
0x99: {  	v9 =	vld.idx.msk [tilespmem:v7+s8+$0x0], $0xffff;
	_ =	sdelay $0x4  }
0x9a: {  	v8 =	vadd.f32 v9, v8;
	_ =	sdelay $0x1  }
0x9b: {  	v9 =	vmul.f32 $2.000000030e-01, v8;
	_ =	sdelay $0x1  }
0x9c: {  	v8 =	vmax.f32 v8, v9  }
0x9d: {  	v8 =	vmul.f32 $1.442695020e+00, v8;
	_ =	sdelay $0x1  }
0x9e: {  	(erf) = vpow2.f32 v8;
	_ =	sdelay $0x8  }
0x9f: {  	vm0 =	veq.s32 v6, v7;
	v8 =	vpop (erf)  }
0xa0: {  	v6 =	vsel vm0, $0x27D8, v7;
	[tilespmem:v0+s11+$0x0] =	vst.idx.msk $0xffff, v8  }
0xa1: {  	[tilespmem:$0x7940] =	vst v6  }
0xa2: {  	v6 =	vld [tilespmem:s22+$0x7810]  }
0xa3: {  	v7 =	vld [tilespmem:s22+$0x78B0];
	_ =	sdelay $0x6  }
0xa4: {  	v8 =	vld.idx.msk [tilespmem:v6+s20+$0x0], $0xffff  }
0xa5: {  	v9 =	vld.idx.msk [tilespmem:v7+s8+$0x0], $0xffff;
	_ =	sdelay $0x4  }
0xa6: {  	v8 =	vadd.f32 v9, v8;
	_ =	sdelay $0x1  }
0xa7: {  	v9 =	vmul.f32 $2.000000030e-01, v8;
	_ =	sdelay $0x1  }
0xa8: {  	v8 =	vmax.f32 v8, v9  }
0xa9: {  	v8 =	vmul.f32 $1.442695020e+00, v8;
	_ =	sdelay $0x1  }
0xaa: {  	(erf) = vpow2.f32 v8;
	_ =	sdelay $0x8  }
0xab: {  	vm12 =	veq.s32 v6, v7;
	v8 =	vpop (erf)  }
0xac: {  	v6 =	vsel vm12, $0x27D8, v7;
	[tilespmem:v2+s11+$0x0] =	vst.idx.msk $0xffff, v8  }
0xad: {  	s26 =	sor.u32 $0x7820, s22;
	[tilespmem:$0x7950] =	vst v6  }
0xae: {  	v6 =	vld [tilespmem:s26+$0x0]  }
0xaf: {  	v7 =	vld [tilespmem:s22+$0x78C0];
	_ =	sdelay $0x6  }
0xb0: {  	v8 =	vld.idx.msk [tilespmem:v6+s20+$0x0], $0xffff  }
0xb1: {  	v9 =	vld.idx.msk [tilespmem:v7+s8+$0x0], $0xffff;
	_ =	sdelay $0x4  }
0xb2: {  	v8 =	vadd.f32 v9, v8;
	_ =	sdelay $0x1  }
0xb3: {  	v9 =	vmul.f32 $2.000000030e-01, v8;
	_ =	sdelay $0x1  }
0xb4: {  	v8 =	vmax.f32 v8, v9  }
0xb5: {  	v8 =	vmul.f32 $1.442695020e+00, v8;
	_ =	sdelay $0x1  }
0xb6: {  	(erf) = vpow2.f32 v8;
	_ =	sdelay $0x8  }
0xb7: {  	vm13 =	veq.s32 v6, v7;
	v8 =	vpop (erf)  }
0xb8: {  	v6 =	vsel vm13, $0x27D8, v7;
	[tilespmem:v3+s11+$0x0] =	vst.idx.msk $0xffff, v8  }
0xb9: {  	[tilespmem:$0x7960] =	vst v6  }
0xba: {  	v6 =	vld [tilespmem:s22+$0x7830]  }
0xbb: {  	v7 =	vld [tilespmem:s22+$0x78D0];
	_ =	sdelay $0x6  }
0xbc: {  	v8 =	vld.idx.msk [tilespmem:v6+s20+$0x0], $0xffff  }
0xbd: {  	v9 =	vld.idx.msk [tilespmem:v7+s8+$0x0], $0xffff;
	_ =	sdelay $0x4  }
0xbe: {  	v8 =	vadd.f32 v9, v8;
	_ =	sdelay $0x1  }
0xbf: {  	v9 =	vmul.f32 $2.000000030e-01, v8;
	_ =	sdelay $0x1  }
0xc0: {  	v8 =	vmax.f32 v8, v9  }
0xc1: {  	v8 =	vmul.f32 $1.442695020e+00, v8;
	_ =	sdelay $0x1  }
0xc2: {  	(erf) = vpow2.f32 v8;
	_ =	sdelay $0x8  }
0xc3: {  	vm14 =	veq.s32 v6, v7;
	v8 =	vpop (erf)  }
0xc4: {  	v6 =	vsel vm14, $0x27D8, v7;
	[tilespmem:v4+s11+$0x0] =	vst.idx.msk $0xffff, v8  }
0xc5: {  	[tilespmem:$0x7970] =	vst v6  }
0xc6: {  	v6 =	vld [tilespmem:s22+$0x7840]  }
0xc7: {  	v7 =	vld [tilespmem:s22+$0x78E0];
	_ =	sdelay $0x6  }
0xc8: {  	v8 =	vld.idx.msk [tilespmem:v6+s20+$0x0], $0xffff  }
0xc9: {  	v9 =	vld.idx.msk [tilespmem:v7+s8+$0x0], $0xffff;
	_ =	sdelay $0x4  }
0xca: {  	v8 =	vadd.f32 v9, v8;
	_ =	sdelay $0x1  }
0xcb: {  	v9 =	vmul.f32 $2.000000030e-01, v8;
	_ =	sdelay $0x1  }
0xcc: {  	v8 =	vmax.f32 v8, v9  }
0xcd: {  	v8 =	vmul.f32 $1.442695020e+00, v8;
	_ =	sdelay $0x1  }
0xce: {  	(erf) = vpow2.f32 v8;
	_ =	sdelay $0x8  }
0xcf: {  	vm15 =	veq.s32 v6, v7;
	v8 =	vpop (erf)  }
0xd0: {  	v6 =	vsel vm15, $0x27D8, v7;
	[tilespmem:v5+s11+$0x0] =	vst.idx.msk $0xffff, v8  }
0xd1: {  	[tilespmem:$0x7980] =	vst v6  }
0xd2: {  	s28 =	simm.s32 $0x0;
	_ =	swait.ge [sflag:s17], $0x2800  }
0xd3: {  	v6 =	vmov s28;
	[sflag:s17] =	ssyncset.done $0x0  }
0xd4: {  	s22 =	simm.s32 $0x5040;
	[sflag:s17] =	ssyncadd.s32 $0xFFFFD800  }
0xd5: {  	v10 =	vld [tilespmem:s22+$0x30]  }
0xd6: {  	v13 =	vld [tilespmem:s22+$0x10]  }
0xd7: {  	v11 =	vld [tilespmem:s22+$0xFFFFFFC0]  }
0xd8: {  	v7 =	vld.idx.msk [tilespmem:v6+s11+$0x0], $0xffff  }
0xd9: {  	v15 =	vld [tilespmem:s22+$0xFFFFFFE0]  }
0xda: {  	v8 =	vld [tilespmem:s22+$0x20]  }
0xdb: {  	v9 =	vld [tilespmem:s22+$0xFFFFFFD0]  }
0xdc: {  	v6 =	vld [tilespmem:s22+$0xFFFFFFF0]  }
0xdd: {  	v14 =	vmul.f32 v10, v7;
	v10 =	vld [tilespmem:s22+$0x0]  }
0xde: {  	v12 =	vmul.f32 v11, v7  }
0xdf: {  	s23 =	simm.s32 $0x1;
	s24 =	simm.s32 $0x5040;
	v11 =	vmul.f32 v15, v7;
	v13 =	vmul.f32 v13, v7  }
.LBB2_7:
0xe0: {  	p0 =	sne.s32 s23, $0x4F  }
0xe1: {  	v9 =	vmul.f32 v9, v7;
	v8 =	vmul.f32 v8, v7;
	[tilespmem:s22+$0x30] =	vst v14;
	s24 =	sadd.s32 $0x80, s24;
	s25 =	smov.u32 s23;
	s23 =	sadd.s32 $0x1, s23  }
0xe2: {  	[tilespmem:s22+$0xFFFFFFC0] =	vst v12;
	v12 =	vmul.f32 v6, v7;
	v7 =	vmul.f32 v10, v7  }
0xe3: {  	s25 =	sshll.u32 s25, $0x4;
	[tilespmem:s22+$0x10] =	vst v13  }
0xe4: {  	v10 =	vmov s25;
	[tilespmem:s22+$0xFFFFFFE0] =	vst v11  }
0xe5: {  	v6 =	vld [tilespmem:s24+$0xFFFFFFF0];
	[tilespmem:s22+$0xFFFFFFF0] =	vst v12  }
0xe6: {  	v11 =	vld [tilespmem:s24+$0x30];
	[tilespmem:s22+$0x0] =	vst v7  }
0xe7: {  	v13 =	vld [tilespmem:s24+$0x10];
	[tilespmem:s22+$0x20] =	vst v8  }
0xe8: {  	v12 =	vld [tilespmem:s24+$0xFFFFFFC0];
	[tilespmem:s22+$0xFFFFFFD0] =	vst v9;
	s22 =	smov.u32 s24  }
0xe9: {  	v7 =	vld.idx.msk [tilespmem:v10+s11+$0x0], $0xffff  }
0xea: {  	v15 =	vld [tilespmem:s24+$0xFFFFFFE0]  }
0xeb: {  	v8 =	vld [tilespmem:s24+$0x20]  }
.Ltmp2:
0xec: {  	v9 =	vld [tilespmem:s24+$0xFFFFFFD0];
	(pc) =	sbr.rel @p0 .LBB2_7-.Ltmp2, $3  }
0xed: {  	v10 =	vld [tilespmem:s24+$0x0];
	_ =	sdelay $0x1  }
0xee: {  	v12 =	vmul.f32 v12, v7;
	v14 =	vmul.f32 v11, v7  }
0xef: {  	v13 =	vmul.f32 v13, v7;
	v11 =	vmul.f32 v15, v7  }
0xf0: {  	[tilespmem:s22+$0x30] =	vst v14  }
0xf1: {  	[tilespmem:s22+$0xFFFFFFC0] =	vst v12  }
0xf2: {  	v6 =	vmul.f32 v6, v7;
	[tilespmem:s22+$0x10] =	vst v13  }
0xf3: {  	v8 =	vmul.f32 v8, v7;
	[tilespmem:s22+$0xFFFFFFE0] =	vst v11  }
0xf4: {  	v10 =	vmul.f32 v10, v7;
	[tilespmem:s22+$0xFFFFFFF0] =	vst v6  }
0xf5: {  	v6 =	vmul.f32 v9, v7;
	[tilespmem:s22+$0x20] =	vst v8  }
0xf6: {  	[tilespmem:s22+$0x0] =	vst v10  }
0xf7: {  	[tilespmem:s22+$0xFFFFFFD0] =	vst v6  }
0xf8: {  	[spmem:s3] =	stream.indirect.scatter.add.f32 [tilespmem:s9], [sflag:$0x4], $0x80, s18, s12, $0xb8;
	[tilespmem:$0x1E690] =	vst v63  }
0xf9: {  	_ =	swait.ge [sflag:s2], $0x2800  }
0xfa: {  	p0 =	sne.s32 s21, $0x7D;
	[sflag:s2] =	ssyncset.done $0x0  }
.Ltmp3:
0xfb: {  	[sflag:s2] =	ssyncadd.s32 $0xFFFFD800;
	(pc) =	sbr.rel @p0 .LBB2_6-.Ltmp3, $4  }
0xfc: {  	[spmem:s4] =	stream.indirect.scatter.add.f32 [tilespmem:s11], [sflag:$0x4], $0x10, s18, s12, $0xb8;
	[tilespmem:$0x1E690] =	vst v63  }
0xfd: {  	_ =	swait.ge [sflag:s2], $0x500  }
0xfe: {  	[sflag:s2] =	ssyncset.done $0x0  }
0xff: {  	[sflag:s2] =	ssyncadd.s32 $0xFFFFFB00  }
0x100: {  	s20 =	stileid.u32  }
0x101: {  	s20 =	sshll.u32 s20, $0x6  }
0x102: {  	[bflag:$0x0] =	sbarrier.arrive $0xFFFF;
	s21 =	sshrl.u32 s13, $0x3;
	s20 =	sor.u32 $0x1C04, s20  }
0x103: {  	[hbm:s30], [sflag:s20] =	dma.local [spmem:s21], $0x2800  }
0x104: {  	s19 =	sadd.s32 $0x1, s19;
	_ =	swait.ge [sflag:s2], $0x2800  }
0x105: {  	p0 =	sne.s32 s19, s0;
	[sflag:s2] =	ssyncset.done $0x0  }
.Ltmp4:
0x106: {  	s28 =	sshrl.u32 s14, $0x3;
	[sflag:s2] =	ssyncadd.s32 $0xFFFFD800;
	(pc) =	sbr.rel @p0 .LBB2_1-.Ltmp4, $4  }
0x107: {  	[hbm:s31], [sflag:s20] =	dma.local [spmem:s28], $0x500  }
0x108: {  	_ =	swait.ge [sflag:s2], $0x500  }
0x109: {  	[sflag:s2] =	ssyncset.done $0x0  }
0x10a: {  	[sflag:s2] =	ssyncadd.s32 $0xFFFFFB00  }
0x10b: {  	_ =	sfence.sel $0x180000  }
0x10c: {  	[bflag:$0x0] =	sbarrier.arrive $0xFFFF  }
0x10d: {  	_ =	strace $0x9000004A  }
0x10e: {  	s0 =	stileid.u32;
	[bflag:$0x2] =	sbarrier.arrive $0xFFFF  }
0x10f: {  	p0 =	sne.s32 s0, $0x0;
	s0 =	rddreg [dreg:$0x4]  }
0x110: {  	s0 =	sadd.s32 @!p0 $0x100000, s0  }
0x111: {  	[sflag:s0] =	ssyncadd.tile.s32 @!p0 $0x1;
	_ =	shalt  }
.Lfunc_end2:
_tile_overlayer_lowered:
.L_overlay_start_2:
0x112: {  	(tag) =	ssettag $0x2  }
0x113: {  	s0 =	rddreg [dreg:$0x0];
	s2 =	stileid.u32  }
0x114: {  	s1 =	rddreg [dreg:$0x1];
	p0 =	sne.s32 s2, $0x0  }
0x115: {  	s3 =	rddreg [dreg:$0x2];
	[bflag:$0x3] =	sbarrier.arrive $0xFFFF;
	s2 =	simm.s32 @!p0 $0x1C04  }
0x116: {  	[timem:s3], [sflag:s2] =	dma.local @!p0 [hbm:s0], s1  }
0x117: {  	s0 =	simm.s32 @!p0 $0x4  }
0x118: {  	_ =	swait.ge @!p0 [sflag:s0], s1  }
0x119: {  	s1 =	ssub.s32 @!p0 $0x0, s1;
	[sflag:s0] =	ssyncset.done @!p0 $0x0  }
0x11a: {  	[sflag:s0] =	ssyncadd.s32 @!p0 s1  }
0x11b: {  	[bflag:$0x3] =	sbarrier.arrive $0xFFFF  }
0x11c: {  	_ =	shalt  }

</sc_bundles>
